<compile_context>
chip_gen: v7x
topology: tpu7x:2x2x1
jax: 0.10.2.dev20260603
libtpu: 0.0.44.dev20260713+nightly
codegen_flags: <defaults>
</compile_context>

<pallas_src>
import functools

import jax
import jax.numpy as jnp
from jax import lax
from jax.experimental import pallas as pl
from jax.experimental.pallas import tpu as pltpu
from jax.experimental.pallas import tpu_sc as plsc

N_NODES = 10000
N_EDGES = 160000
D_IN = 256
D_H1 = 256
D_H2 = 128

NC = 2
NS = 16
SLAB = 632
SLAB_LAST = N_NODES - (NS - 1) * SLAB


def _slab_copy(sid, make_src, make_dst):
  row0 = sid * SLAB

  @pl.when(sid < NS - 1)
  def _():
    pltpu.sync_copy(make_src(row0, SLAB), make_dst(row0, SLAB))

  @pl.when(sid == NS - 1)
  def _():
    pltpu.sync_copy(make_src(row0, SLAB_LAST), make_dst(row0, SLAB_LAST))


def _edge_prologue(table_hbm, src_hbm, dst_hbm, base0, chunk, n_chunks, tail,
                   srcs_v, dsts_v, rows_a, sem_a, rows_t, sem_t):
  n_sub = chunk * n_chunks + tail
  pltpu.sync_copy(src_hbm.at[pl.ds(base0, n_sub)], srcs_v)
  pltpu.sync_copy(dst_hbm.at[pl.ds(base0, n_sub)], dsts_v)
  if tail:
    pltpu.async_copy(
        table_hbm.at[srcs_v.at[pl.ds(n_chunks * chunk, tail)]], rows_t, sem_t)
  pltpu.async_copy(table_hbm.at[srcs_v.at[pl.ds(0, chunk)]], rows_a, sem_a)


def _edge_pipeline(table_hbm, acc_sh, chunk, n_chunks, tail,
                   srcs_v, dsts_v, rows_a, sem_a, rows_b, sem_b,
                   rows_t, sem_t):
  def src_at(c):
    return srcs_v.at[pl.ds(c * chunk, chunk)]

  def dst_at(c):
    return dsts_v.at[pl.ds(c * chunk, chunk)]

  def pair(j, carry):
    c0 = 2 * j
    pltpu.async_copy(table_hbm.at[src_at(c0 + 1)], rows_b, sem_b)
    pltpu.make_async_copy(table_hbm.at[src_at(c0)], rows_a, sem_a).wait()
    pltpu.sync_copy(rows_a, acc_sh.at[dst_at(c0)], add=True)
    pltpu.async_copy(table_hbm.at[src_at(c0 + 2)], rows_a, sem_a)
    pltpu.make_async_copy(table_hbm.at[src_at(c0 + 1)], rows_b, sem_b).wait()
    pltpu.sync_copy(rows_b, acc_sh.at[dst_at(c0 + 1)], add=True)
    return carry

  if n_chunks % 2:
    lax.fori_loop(0, (n_chunks - 1) // 2, pair, 0)
    pltpu.make_async_copy(table_hbm.at[src_at(n_chunks - 1)], rows_a,
                          sem_a).wait()
    pltpu.sync_copy(rows_a, acc_sh.at[dst_at(n_chunks - 1)], add=True)
  else:
    lax.fori_loop(0, (n_chunks - 2) // 2, pair, 0)
    pltpu.async_copy(table_hbm.at[src_at(n_chunks - 1)], rows_b, sem_b)
    pltpu.make_async_copy(table_hbm.at[src_at(n_chunks - 2)], rows_a,
                          sem_a).wait()
    pltpu.sync_copy(rows_a, acc_sh.at[dst_at(n_chunks - 2)], add=True)
    pltpu.make_async_copy(table_hbm.at[src_at(n_chunks - 1)], rows_b,
                          sem_b).wait()
    pltpu.sync_copy(rows_b, acc_sh.at[dst_at(n_chunks - 1)], add=True)

  if tail:
    pltpu.make_async_copy(
        table_hbm.at[srcs_v.at[pl.ds(n_chunks * chunk, tail)]], rows_t,
        sem_t).wait()
    pltpu.sync_copy(rows_t, acc_sh.at[dsts_v.at[pl.ds(n_chunks * chunk,
                                                      tail)]], add=True)


def _gather_scratch(chunk, n_chunks, tail, dc):
  n_sub = chunk * n_chunks + tail
  return [
      pltpu.VMEM((n_sub,), jnp.int32),
      pltpu.VMEM((n_sub,), jnp.int32),
      pltpu.VMEM((chunk, dc), jnp.float32),
      pltpu.SemaphoreType.DMA,
      pltpu.VMEM((chunk, dc), jnp.float32),
      pltpu.SemaphoreType.DMA,
      pltpu.VMEM((max(tail, 8), dc), jnp.float32),
      pltpu.SemaphoreType.DMA,
      pltpu.VMEM_SHARED((N_NODES, dc), jnp.float32),
  ]


CHUNK1 = 96
N_CHUNKS1 = N_EDGES // NS // CHUNK1
TAIL1 = N_EDGES // NS - N_CHUNKS1 * CHUNK1


def _make_agg_colsplit(dc):
  mesh = plsc.VectorSubcoreMesh(core_axis_name="c", subcore_axis_name="s")
  out_type = (
      jax.ShapeDtypeStruct((N_NODES, dc), jnp.float32),
      jax.ShapeDtypeStruct((N_NODES, dc), jnp.float32),
  )

  @functools.partial(pl.kernel, out_type=out_type, mesh=mesh,
                     scratch_types=_gather_scratch(CHUNK1, N_CHUNKS1, TAIL1,
                                                   dc))
  def agg(t0_hbm, t1_hbm, src_hbm, dst_hbm, zeros_hbm, out0_hbm, out1_hbm,
          srcs_v, dsts_v, rows_a, sem_a, rows_b, sem_b, rows_t, sem_t,
          acc_sh):
    cid = lax.axis_index("c")
    sid = lax.axis_index("s")
    base0 = sid * (N_EDGES // NS)

    @pl.when(cid == 0)
    def _():
      _edge_prologue(t0_hbm, src_hbm, dst_hbm, base0, CHUNK1, N_CHUNKS1,
                     TAIL1, srcs_v, dsts_v, rows_a, sem_a, rows_t, sem_t)

    @pl.when(cid == 1)
    def _():
      _edge_prologue(t1_hbm, src_hbm, dst_hbm, base0, CHUNK1, N_CHUNKS1,
                     TAIL1, srcs_v, dsts_v, rows_a, sem_a, rows_t, sem_t)

    _slab_copy(sid, lambda r, n: zeros_hbm.at[pl.ds(r, n)],
               lambda r, n: acc_sh.at[pl.ds(r, n)])
    plsc.subcore_barrier()

    @pl.when(cid == 0)
    def _():
      _edge_pipeline(t0_hbm, acc_sh, CHUNK1, N_CHUNKS1, TAIL1, srcs_v, dsts_v,
                     rows_a, sem_a, rows_b, sem_b, rows_t, sem_t)

    @pl.when(cid == 1)
    def _():
      _edge_pipeline(t1_hbm, acc_sh, CHUNK1, N_CHUNKS1, TAIL1, srcs_v, dsts_v,
                     rows_a, sem_a, rows_b, sem_b, rows_t, sem_t)

    plsc.subcore_barrier()

    @pl.when(cid == 0)
    def _():
      _slab_copy(sid, lambda r, n: acc_sh.at[pl.ds(r, n)],
                 lambda r, n: out0_hbm.at[pl.ds(r, n)])

    @pl.when(cid == 1)
    def _():
      _slab_copy(sid, lambda r, n: acc_sh.at[pl.ds(r, n)],
                 lambda r, n: out1_hbm.at[pl.ds(r, n)])

  return agg


_agg_l1 = _make_agg_colsplit(D_IN // 2)


CHUNK2 = 128
N_CHUNKS2 = N_EDGES // NC // NS // CHUNK2
TAIL2 = N_EDGES // NC // NS - N_CHUNKS2 * CHUNK2


def _make_agg_edgesplit(dc):
  epc = N_EDGES // NC
  eps = epc // NS
  mesh = plsc.VectorSubcoreMesh(core_axis_name="c", subcore_axis_name="s")
  out_type = (
      jax.ShapeDtypeStruct((N_NODES, dc), jnp.float32),
      jax.ShapeDtypeStruct((N_NODES, dc), jnp.float32),
  )

  @functools.partial(pl.kernel, out_type=out_type, mesh=mesh,
                     scratch_types=_gather_scratch(CHUNK2, N_CHUNKS2, TAIL2,
                                                   dc))
  def agg(table_hbm, src_hbm, dst_hbm, zeros_hbm, out0_hbm, out1_hbm,
          srcs_v, dsts_v, rows_a, sem_a, rows_b, sem_b, rows_t, sem_t,
          acc_sh):
    cid = lax.axis_index("c")
    sid = lax.axis_index("s")
    base0 = cid * epc + sid * eps

    _edge_prologue(table_hbm, src_hbm, dst_hbm, base0, CHUNK2, N_CHUNKS2,
                   TAIL2, srcs_v, dsts_v, rows_a, sem_a, rows_t, sem_t)
    _slab_copy(sid, lambda r, n: zeros_hbm.at[pl.ds(r, n)],
               lambda r, n: acc_sh.at[pl.ds(r, n)])
    plsc.subcore_barrier()

    _edge_pipeline(table_hbm, acc_sh, CHUNK2, N_CHUNKS2, TAIL2, srcs_v,
                   dsts_v, rows_a, sem_a, rows_b, sem_b, rows_t, sem_t)

    plsc.subcore_barrier()

    @pl.when(cid == 0)
    def _():
      _slab_copy(sid, lambda r, n: acc_sh.at[pl.ds(r, n)],
                 lambda r, n: out0_hbm.at[pl.ds(r, n)])

    @pl.when(cid == 1)
    def _():
      _slab_copy(sid, lambda r, n: acc_sh.at[pl.ds(r, n)],
                 lambda r, n: out1_hbm.at[pl.ds(r, n)])

  return agg


_agg_l2 = _make_agg_edgesplit(D_H2)


BM = 1000


def _mm_body(a0_ref, a1_ref, w1_ref, w2_ref, o_ref):
  h = jnp.dot(a0_ref[...], w1_ref[0:128, :], preferred_element_type=jnp.float32)
  h = h + jnp.dot(a1_ref[...], w1_ref[128:256, :],
                  preferred_element_type=jnp.float32)
  h1 = jnp.where(h > 0, h, jnp.exp(jnp.minimum(h, 0.0)) - 1.0)
  o_ref[...] = jnp.dot(h1, w2_ref[...], preferred_element_type=jnp.float32)


def _fused_mm(a0, a1, w1, w2):
  grid = (N_NODES // BM,)
  return pl.pallas_call(
      _mm_body,
      grid=grid,
      in_specs=[
          pl.BlockSpec((BM, 128), lambda i: (i, 0)),
          pl.BlockSpec((BM, 128), lambda i: (i, 0)),
          pl.BlockSpec((256, 256), lambda i: (0, 0)),
          pl.BlockSpec((256, 128), lambda i: (0, 0)),
      ],
      out_specs=pl.BlockSpec((BM, 128), lambda i: (i, 0)),
      out_shape=jax.ShapeDtypeStruct((N_NODES, D_H2), jnp.float32),
  )(a0, a1, w1, w2)


def _norm_body(p0_ref, p1_ref, o_ref):
  h2 = p0_ref[...] + p1_ref[...]
  ss = jnp.sum(h2 * h2, axis=1, keepdims=True)
  inv = 1.0 / jnp.maximum(jnp.sqrt(ss), 1e-12)
  o_ref[...] = h2 * inv


def _normalize(p0, p1):
  grid = (N_NODES // BM,)
  return pl.pallas_call(
      _norm_body,
      grid=grid,
      in_specs=[
          pl.BlockSpec((BM, 128), lambda i: (i, 0)),
          pl.BlockSpec((BM, 128), lambda i: (i, 0)),
      ],
      out_specs=pl.BlockSpec((BM, 128), lambda i: (i, 0)),
      out_shape=jax.ShapeDtypeStruct((N_NODES, D_H2), jnp.float32),
  )(p0, p1)


@jax.jit
def kernel(x, edge_index, W1, W2):
  src = edge_index[0].astype(jnp.int32)
  dst = edge_index[1].astype(jnp.int32)
  x0 = x[:, :128]
  x1 = x[:, 128:]
  z128 = jnp.zeros((N_NODES, 128), jnp.float32)

  agg0, agg1 = _agg_l1(x0, x1, src, dst, z128)
  s2 = _fused_mm(agg0, agg1, W1, W2)
  p0, p1 = _agg_l2(s2, src, dst, z128)
  return _normalize(p0, p1)

# --- scband reference (transcript-rebuilt; emitter-appended) ---
"""Pipeline reference for scband-gcnmodel-ae-batch-17549236372279 (READ-ONLY COPY).

The authoritative reference and input builder live on the scoring server;
editing this copy changes nothing except your own understanding.
"""

import jax, jax.numpy as jnp
import numpy as np

N_NODES = 10000
N_EDGES = 160000
D_IN = 256
D_H1 = 256
D_H2 = 128


def setup_inputs(seed: int = 0) -> dict:
    key = jax.random.key(seed)
    k1, k2, k3, k4 = jax.random.split(key, 4)
    x = jax.random.normal(k1, (N_NODES, D_IN), dtype=jnp.float32)
    edge_index = jax.random.randint(k2, (2, N_EDGES), 0, N_NODES, dtype=jnp.int64)
    # GraphConvolution weights (glorot-style init)
    W1 = jax.random.normal(k3, (D_IN, D_H1), dtype=jnp.float32) * (1.0 / np.sqrt(D_IN))
    W2 = jax.random.normal(k4, (D_H1, D_H2), dtype=jnp.float32) * (1.0 / np.sqrt(D_H1))
    return {"x": x, "edge_index": edge_index, "W1": W1, "W2": W2}


def _gcn_layer(h, src, dst, W, n_nodes):
    # support = h @ W ; out = A @ support, realized as edge gather + scatter-add by dst
    support = h @ W
    msgs = jnp.take(support, src, axis=0)
    return jax.ops.segment_sum(msgs, dst, num_segments=n_nodes)


def reference(x, edge_index, W1, W2):
    # GCNModelAE_batch.forward with just_mu=True (encode path):
    #   hidden1 = elu(GC1(x, adj)); mu = GC2(hidden1, adj); mu = l2-normalize(mu)
    src = edge_index[0]
    dst = edge_index[1]
    n = x.shape[0]
    h1 = jax.nn.elu(_gcn_layer(x, src, dst, W1, n))
    h2 = _gcn_layer(h1, src, dst, W2, n)  # act = identity
    norm = jnp.linalg.norm(h2, ord=2, axis=1, keepdims=True)
    mu = h2 / jnp.maximum(norm, 1e-12)
    return mu


if False:  # reference __main__ guard neutralized (emitter)
    inp = setup_inputs()
    out = reference(**inp)
    print(out.shape, out.dtype)

if __name__ == "__main__":
    import jax
    _d = setup_inputs()
    print(jax.jit(kernel)(*tuple(_d.values())))

</pallas_src>

<mosaic_0001>
#map = affine_map<(d0, d1) -> (0, 0)>
#map1 = affine_map<(d0, d1) -> (0)>
module attributes {stable_mosaic.version = 14 : i64} {
  func.func @agg(%arg0: i32, %arg1: i32, %arg2: memref<10000x128xf32, #tpu.memory_space<hbm>>, %arg3: memref<10000x128xf32, #tpu.memory_space<hbm>>, %arg4: memref<160000xi32, #tpu.memory_space<hbm>>, %arg5: memref<160000xi32, #tpu.memory_space<hbm>>, %arg6: memref<10000x128xf32, #tpu.memory_space<hbm>>, %arg7: memref<10000x128xf32, #tpu.memory_space<hbm>>, %arg8: memref<10000x128xf32, #tpu.memory_space<hbm>>, %arg9: memref<10000xi32, #tpu.memory_space<vmem>>, %arg10: memref<10000xi32, #tpu.memory_space<vmem>>, %arg11: memref<96x128xf32, #tpu.memory_space<vmem>>, %arg12: memref<!tpu.dma_semaphore, #tpu.memory_space<semaphore_mem>>, %arg13: memref<96x128xf32, #tpu.memory_space<vmem>>, %arg14: memref<!tpu.dma_semaphore, #tpu.memory_space<semaphore_mem>>, %arg15: memref<16x128xf32, #tpu.memory_space<vmem>>, %arg16: memref<!tpu.dma_semaphore, #tpu.memory_space<semaphore_mem>>, %arg17: memref<10000x128xf32, #tpu.memory_space<vmem_shared>>) attributes {dimension_semantics = [#tpu.dimension_semantics<core_parallel>, #tpu.dimension_semantics<subcore_parallel>], iteration_bounds = array<i64: 2, 16>, scalar_prefetch = 0 : i64, scratch_operands = 9 : i64, tpu.core_type = #tpu.core_type<sc_vector_subcore>, window_params = [{transform_indices = #map}, {transform_indices = #map}, {transform_indices = #map1}, {transform_indices = #map1}, {transform_indices = #map}, {transform_indices = #map}, {transform_indices = #map}]} {
    %mul3A = arith.constant 10000 : i32
    %mul3A_0 = arith.muli %arg1, %mul3A : i32
    %eq3A = arith.constant 0 : i32
    %eq3A_1 = arith.cmpi eq, %arg0, %eq3A : i32
    %convert_element_type3A = arith.extui %eq3A_1 : i1 to i32
    %cond3A = arith.constant 0 : i32
    %cond3A_2 = arith.cmpi ne, %convert_element_type3A, %cond3A : i32
    scf.if %cond3A_2 {
      "tpu.region"() ({
        %run_scoped3A = tpu.sem_alloc : memref<!tpu.dma_semaphore, #tpu.memory_space<semaphore_mem>>
        %dma_start3A_49 = tpu.memref_slice %arg4[%mul3A_0] : memref<160000xi32, #tpu.memory_space<hbm>> -> memref<10000xi32, #tpu.memory_space<hbm>>
        %dma_start3A_50 = tpu.memref_slice %arg4[%mul3A_0] : memref<160000xi32, #tpu.memory_space<hbm>> -> memref<10000xi32, #tpu.memory_space<hbm>>
        tpu.enqueue_dma source(%dma_start3A_50 : memref<10000xi32, #tpu.memory_space<hbm>>) target(%arg9 : memref<10000xi32, #tpu.memory_space<vmem>>) target_semaphore(%run_scoped3A : memref<!tpu.dma_semaphore, #tpu.memory_space<semaphore_mem>>)
        %dma_wait3A = tpu.memref_slice %arg4[%mul3A_0] : memref<160000xi32, #tpu.memory_space<hbm>> -> memref<10000xi32, #tpu.memory_space<hbm>>
        %dma_wait3A_51 = tpu.memref_slice %arg4[%mul3A_0] : memref<160000xi32, #tpu.memory_space<hbm>> -> memref<10000xi32, #tpu.memory_space<hbm>>
        tpu.wait_dma2 semaphore(%run_scoped3A : memref<!tpu.dma_semaphore, #tpu.memory_space<semaphore_mem>>) src(%dma_wait3A_51 : memref<10000xi32, #tpu.memory_space<hbm>>) dst(%arg9 : memref<10000xi32, #tpu.memory_space<vmem>>)
        tpu.yield
      }) : () -> ()
      "tpu.region"() ({
        %run_scoped3A = tpu.sem_alloc : memref<!tpu.dma_semaphore, #tpu.memory_space<semaphore_mem>>
        %dma_start3A_49 = tpu.memref_slice %arg5[%mul3A_0] : memref<160000xi32, #tpu.memory_space<hbm>> -> memref<10000xi32, #tpu.memory_space<hbm>>
        %dma_start3A_50 = tpu.memref_slice %arg5[%mul3A_0] : memref<160000xi32, #tpu.memory_space<hbm>> -> memref<10000xi32, #tpu.memory_space<hbm>>
        tpu.enqueue_dma source(%dma_start3A_50 : memref<10000xi32, #tpu.memory_space<hbm>>) target(%arg10 : memref<10000xi32, #tpu.memory_space<vmem>>) target_semaphore(%run_scoped3A : memref<!tpu.dma_semaphore, #tpu.memory_space<semaphore_mem>>)
        %dma_wait3A = tpu.memref_slice %arg5[%mul3A_0] : memref<160000xi32, #tpu.memory_space<hbm>> -> memref<10000xi32, #tpu.memory_space<hbm>>
        %dma_wait3A_51 = tpu.memref_slice %arg5[%mul3A_0] : memref<160000xi32, #tpu.memory_space<hbm>> -> memref<10000xi32, #tpu.memory_space<hbm>>
        tpu.wait_dma2 semaphore(%run_scoped3A : memref<!tpu.dma_semaphore, #tpu.memory_space<semaphore_mem>>) src(%dma_wait3A_51 : memref<10000xi32, #tpu.memory_space<hbm>>) dst(%arg10 : memref<10000xi32, #tpu.memory_space<vmem>>)
        tpu.yield
      }) : () -> ()
      %dma_start3A = arith.constant 9984 : i32
      %dma_start3A_40 = tpu.memref_slice %arg9[%dma_start3A] : memref<10000xi32, #tpu.memory_space<vmem>> -> memref<16xi32, #tpu.memory_space<vmem>>
      %dma_start3A_41 = arith.constant 0 : i32
      %dma_start3A_42 = arith.constant 0 : i32
      %dma_start3A_43 = tpu.memref_slice %arg2[%dma_start3A_41, %dma_start3A_42] : memref<10000x128xf32, #tpu.memory_space<hbm>> -> memref<10000x128xf32, #tpu.memory_space<hbm>>
      tpu.enqueue_indirect_dma source(%dma_start3A_43 : memref<10000x128xf32, #tpu.memory_space<hbm>>) target(%arg15 : memref<16x128xf32, #tpu.memory_space<vmem>>) offsets(%dma_start3A_40 : memref<16xi32, #tpu.memory_space<vmem>>) semaphore(%arg16 : memref<!tpu.dma_semaphore, #tpu.memory_space<semaphore_mem>>)
      %dma_start3A_44 = arith.constant 0 : i32
      %dma_start3A_45 = tpu.memref_slice %arg9[%dma_start3A_44] : memref<10000xi32, #tpu.memory_space<vmem>> -> memref<96xi32, #tpu.memory_space<vmem>>
      %dma_start3A_46 = arith.constant 0 : i32
      %dma_start3A_47 = arith.constant 0 : i32
      %dma_start3A_48 = tpu.memref_slice %arg2[%dma_start3A_46, %dma_start3A_47] : memref<10000x128xf32, #tpu.memory_space<hbm>> -> memref<10000x128xf32, #tpu.memory_space<hbm>>
      tpu.enqueue_indirect_dma source(%dma_start3A_48 : memref<10000x128xf32, #tpu.memory_space<hbm>>) target(%arg11 : memref<96x128xf32, #tpu.memory_space<vmem>>) offsets(%dma_start3A_45 : memref<96xi32, #tpu.memory_space<vmem>>) semaphore(%arg12 : memref<!tpu.dma_semaphore, #tpu.memory_space<semaphore_mem>>)
    } else {
    }
    %eq3A_3 = arith.constant 1 : i32
    %eq3A_4 = arith.cmpi eq, %arg0, %eq3A_3 : i32
    %convert_element_type3A_5 = arith.extui %eq3A_4 : i1 to i32
    %cond3A_6 = arith.constant 0 : i32
    %cond3A_7 = arith.cmpi ne, %convert_element_type3A_5, %cond3A_6 : i32
    scf.if %cond3A_7 {
      "tpu.region"() ({
        %run_scoped3A = tpu.sem_alloc : memref<!tpu.dma_semaphore, #tpu.memory_space<semaphore_mem>>
        %dma_start3A_49 = tpu.memref_slice %arg4[%mul3A_0] : memref<160000xi32, #tpu.memory_space<hbm>> -> memref<10000xi32, #tpu.memory_space<hbm>>
        %dma_start3A_50 = tpu.memref_slice %arg4[%mul3A_0] : memref<160000xi32, #tpu.memory_space<hbm>> -> memref<10000xi32, #tpu.memory_space<hbm>>
        tpu.enqueue_dma source(%dma_start3A_50 : memref<10000xi32, #tpu.memory_space<hbm>>) target(%arg9 : memref<10000xi32, #tpu.memory_space<vmem>>) target_semaphore(%run_scoped3A : memref<!tpu.dma_semaphore, #tpu.memory_space<semaphore_mem>>)
        %dma_wait3A = tpu.memref_slice %arg4[%mul3A_0] : memref<160000xi32, #tpu.memory_space<hbm>> -> memref<10000xi32, #tpu.memory_space<hbm>>
        %dma_wait3A_51 = tpu.memref_slice %arg4[%mul3A_0] : memref<160000xi32, #tpu.memory_space<hbm>> -> memref<10000xi32, #tpu.memory_space<hbm>>
        tpu.wait_dma2 semaphore(%run_scoped3A : memref<!tpu.dma_semaphore, #tpu.memory_space<semaphore_mem>>) src(%dma_wait3A_51 : memref<10000xi32, #tpu.memory_space<hbm>>) dst(%arg9 : memref<10000xi32, #tpu.memory_space<vmem>>)
        tpu.yield
      }) : () -> ()
      "tpu.region"() ({
        %run_scoped3A = tpu.sem_alloc : memref<!tpu.dma_semaphore, #tpu.memory_space<semaphore_mem>>
        %dma_start3A_49 = tpu.memref_slice %arg5[%mul3A_0] : memref<160000xi32, #tpu.memory_space<hbm>> -> memref<10000xi32, #tpu.memory_space<hbm>>
        %dma_start3A_50 = tpu.memref_slice %arg5[%mul3A_0] : memref<160000xi32, #tpu.memory_space<hbm>> -> memref<10000xi32, #tpu.memory_space<hbm>>
        tpu.enqueue_dma source(%dma_start3A_50 : memref<10000xi32, #tpu.memory_space<hbm>>) target(%arg10 : memref<10000xi32, #tpu.memory_space<vmem>>) target_semaphore(%run_scoped3A : memref<!tpu.dma_semaphore, #tpu.memory_space<semaphore_mem>>)
        %dma_wait3A = tpu.memref_slice %arg5[%mul3A_0] : memref<160000xi32, #tpu.memory_space<hbm>> -> memref<10000xi32, #tpu.memory_space<hbm>>
        %dma_wait3A_51 = tpu.memref_slice %arg5[%mul3A_0] : memref<160000xi32, #tpu.memory_space<hbm>> -> memref<10000xi32, #tpu.memory_space<hbm>>
        tpu.wait_dma2 semaphore(%run_scoped3A : memref<!tpu.dma_semaphore, #tpu.memory_space<semaphore_mem>>) src(%dma_wait3A_51 : memref<10000xi32, #tpu.memory_space<hbm>>) dst(%arg10 : memref<10000xi32, #tpu.memory_space<vmem>>)
        tpu.yield
      }) : () -> ()
      %dma_start3A = arith.constant 9984 : i32
      %dma_start3A_40 = tpu.memref_slice %arg9[%dma_start3A] : memref<10000xi32, #tpu.memory_space<vmem>> -> memref<16xi32, #tpu.memory_space<vmem>>
      %dma_start3A_41 = arith.constant 0 : i32
      %dma_start3A_42 = arith.constant 0 : i32
      %dma_start3A_43 = tpu.memref_slice %arg3[%dma_start3A_41, %dma_start3A_42] : memref<10000x128xf32, #tpu.memory_space<hbm>> -> memref<10000x128xf32, #tpu.memory_space<hbm>>
      tpu.enqueue_indirect_dma source(%dma_start3A_43 : memref<10000x128xf32, #tpu.memory_space<hbm>>) target(%arg15 : memref<16x128xf32, #tpu.memory_space<vmem>>) offsets(%dma_start3A_40 : memref<16xi32, #tpu.memory_space<vmem>>) semaphore(%arg16 : memref<!tpu.dma_semaphore, #tpu.memory_space<semaphore_mem>>)
      %dma_start3A_44 = arith.constant 0 : i32
      %dma_start3A_45 = tpu.memref_slice %arg9[%dma_start3A_44] : memref<10000xi32, #tpu.memory_space<vmem>> -> memref<96xi32, #tpu.memory_space<vmem>>
      %dma_start3A_46 = arith.constant 0 : i32
      %dma_start3A_47 = arith.constant 0 : i32
      %dma_start3A_48 = tpu.memref_slice %arg3[%dma_start3A_46, %dma_start3A_47] : memref<10000x128xf32, #tpu.memory_space<hbm>> -> memref<10000x128xf32, #tpu.memory_space<hbm>>
      tpu.enqueue_indirect_dma source(%dma_start3A_48 : memref<10000x128xf32, #tpu.memory_space<hbm>>) target(%arg11 : memref<96x128xf32, #tpu.memory_space<vmem>>) offsets(%dma_start3A_45 : memref<96xi32, #tpu.memory_space<vmem>>) semaphore(%arg12 : memref<!tpu.dma_semaphore, #tpu.memory_space<semaphore_mem>>)
    } else {
    }
    %mul3A_8 = arith.constant 632 : i32
    %mul3A_9 = arith.muli %arg1, %mul3A_8 : i32
    %lt3A = arith.constant 15 : i32
    %lt3A_10 = arith.cmpi slt, %arg1, %lt3A : i32
    %convert_element_type3A_11 = arith.extui %lt3A_10 : i1 to i32
    %cond3A_12 = arith.constant 0 : i32
    %cond3A_13 = arith.cmpi ne, %convert_element_type3A_11, %cond3A_12 : i32
    scf.if %cond3A_13 {
      "tpu.region"() ({
        %run_scoped3A = tpu.sem_alloc : memref<!tpu.dma_semaphore, #tpu.memory_space<semaphore_mem>>
        %dma_start3A = arith.constant 0 : i32
        %dma_start3A_40 = tpu.memref_slice %arg17[%mul3A_9, %dma_start3A] : memref<10000x128xf32, #tpu.memory_space<vmem_shared>> -> memref<632x128xf32, #tpu.memory_space<vmem_shared>>
        %dma_start3A_41 = arith.constant 0 : i32
        %dma_start3A_42 = tpu.memref_slice %arg6[%mul3A_9, %dma_start3A_41] : memref<10000x128xf32, #tpu.memory_space<hbm>> -> memref<632x128xf32, #tpu.memory_space<hbm>>
        tpu.enqueue_dma source(%dma_start3A_42 : memref<632x128xf32, #tpu.memory_space<hbm>>) target(%dma_start3A_40 : memref<632x128xf32, #tpu.memory_space<vmem_shared>>) target_semaphore(%run_scoped3A : memref<!tpu.dma_semaphore, #tpu.memory_space<semaphore_mem>>)
        %dma_wait3A = arith.constant 0 : i32
        %dma_wait3A_43 = tpu.memref_slice %arg17[%mul3A_9, %dma_wait3A] : memref<10000x128xf32, #tpu.memory_space<vmem_shared>> -> memref<632x128xf32, #tpu.memory_space<vmem_shared>>
        %dma_wait3A_44 = arith.constant 0 : i32
        %dma_wait3A_45 = tpu.memref_slice %arg6[%mul3A_9, %dma_wait3A_44] : memref<10000x128xf32, #tpu.memory_space<hbm>> -> memref<632x128xf32, #tpu.memory_space<hbm>>
        tpu.wait_dma2 semaphore(%run_scoped3A : memref<!tpu.dma_semaphore, #tpu.memory_space<semaphore_mem>>) src(%dma_wait3A_45 : memref<632x128xf32, #tpu.memory_space<hbm>>) dst(%dma_wait3A_43 : memref<632x128xf32, #tpu.memory_space<vmem_shared>>)
        tpu.yield
      }) : () -> ()
    } else {
    }
    %eq3A_14 = arith.constant 15 : i32
    %eq3A_15 = arith.cmpi eq, %arg1, %eq3A_14 : i32
    %convert_element_type3A_16 = arith.extui %eq3A_15 : i1 to i32
    %cond3A_17 = arith.constant 0 : i32
    %cond3A_18 = arith.cmpi ne, %convert_element_type3A_16, %cond3A_17 : i32
    scf.if %cond3A_18 {
      "tpu.region"() ({
        %run_scoped3A = tpu.sem_alloc : memref<!tpu.dma_semaphore, #tpu.memory_space<semaphore_mem>>
        %dma_start3A = arith.constant 0 : i32
        %dma_start3A_40 = tpu.memref_slice %arg17[%mul3A_9, %dma_start3A] : memref<10000x128xf32, #tpu.memory_space<vmem_shared>> -> memref<520x128xf32, #tpu.memory_space<vmem_shared>>
        %dma_start3A_41 = arith.constant 0 : i32
        %dma_start3A_42 = tpu.memref_slice %arg6[%mul3A_9, %dma_start3A_41] : memref<10000x128xf32, #tpu.memory_space<hbm>> -> memref<520x128xf32, #tpu.memory_space<hbm>>
        tpu.enqueue_dma source(%dma_start3A_42 : memref<520x128xf32, #tpu.memory_space<hbm>>) target(%dma_start3A_40 : memref<520x128xf32, #tpu.memory_space<vmem_shared>>) target_semaphore(%run_scoped3A : memref<!tpu.dma_semaphore, #tpu.memory_space<semaphore_mem>>)
        %dma_wait3A = arith.constant 0 : i32
        %dma_wait3A_43 = tpu.memref_slice %arg17[%mul3A_9, %dma_wait3A] : memref<10000x128xf32, #tpu.memory_space<vmem_shared>> -> memref<520x128xf32, #tpu.memory_space<vmem_shared>>
        %dma_wait3A_44 = arith.constant 0 : i32
        %dma_wait3A_45 = tpu.memref_slice %arg6[%mul3A_9, %dma_wait3A_44] : memref<10000x128xf32, #tpu.memory_space<hbm>> -> memref<520x128xf32, #tpu.memory_space<hbm>>
        tpu.wait_dma2 semaphore(%run_scoped3A : memref<!tpu.dma_semaphore, #tpu.memory_space<semaphore_mem>>) src(%dma_wait3A_45 : memref<520x128xf32, #tpu.memory_space<hbm>>) dst(%dma_wait3A_43 : memref<520x128xf32, #tpu.memory_space<vmem_shared>>)
        tpu.yield
      }) : () -> ()
    } else {
    }
    %barrier3A = arith.constant 0 : index
    tpu.barrier barrier_id(%barrier3A)
    %eq3A_19 = arith.constant 0 : i32
    %eq3A_20 = arith.cmpi eq, %arg0, %eq3A_19 : i32
    %convert_element_type3A_21 = arith.extui %eq3A_20 : i1 to i32
    %cond3A_22 = arith.constant 0 : i32
    %cond3A_23 = arith.cmpi ne, %convert_element_type3A_21, %cond3A_22 : i32
    scf.if %cond3A_23 {
      %scan3A = arith.constant 0 : i32
      %scan3A_40 = arith.constant 0 : i32
      %scan3A_41 = arith.constant 51 : i32
      %scan3A_42 = arith.addi %scan3A_40, %scan3A_41 : i32
      %scan3A_43 = arith.constant 1 : i32
      scf.for %scan3A_63 = %scan3A_40 to %scan3A_42 step %scan3A_43  : i32 {
        %mul3A_64 = arith.constant 2 : i32
        %mul3A_65 = arith.muli %mul3A_64, %scan3A_63 : i32
        %add3A = arith.constant 1 : i32
        %add3A_66 = arith.addi %mul3A_65, %add3A : i32
        %mul3A_67 = arith.constant 96 : i32
        %mul3A_68 = arith.muli %add3A_66, %mul3A_67 : i32
        %dma_start3A_69 = tpu.memref_slice %arg9[%mul3A_68] : memref<10000xi32, #tpu.memory_space<vmem>> -> memref<96xi32, #tpu.memory_space<vmem>>
        %dma_start3A_70 = arith.constant 0 : i32
        %dma_start3A_71 = arith.constant 0 : i32
        %dma_start3A_72 = tpu.memref_slice %arg2[%dma_start3A_70, %dma_start3A_71] : memref<10000x128xf32, #tpu.memory_space<hbm>> -> memref<10000x128xf32, #tpu.memory_space<hbm>>
        tpu.enqueue_indirect_dma source(%dma_start3A_72 : memref<10000x128xf32, #tpu.memory_space<hbm>>) target(%arg13 : memref<96x128xf32, #tpu.memory_space<vmem>>) offsets(%dma_start3A_69 : memref<96xi32, #tpu.memory_space<vmem>>) semaphore(%arg14 : memref<!tpu.dma_semaphore, #tpu.memory_space<semaphore_mem>>)
        %mul3A_73 = arith.constant 96 : i32
        %mul3A_74 = arith.muli %mul3A_65, %mul3A_73 : i32
        %dma_wait3A_75 = tpu.memref_slice %arg9[%mul3A_74] : memref<10000xi32, #tpu.memory_space<vmem>> -> memref<96xi32, #tpu.memory_space<vmem>>
        %dma_wait3A_76 = arith.constant 0 : i32
        %dma_wait3A_77 = arith.constant 0 : i32
        %dma_wait3A_78 = tpu.memref_slice %arg2[%dma_wait3A_76, %dma_wait3A_77] : memref<10000x128xf32, #tpu.memory_space<hbm>> -> memref<10000x128xf32, #tpu.memory_space<hbm>>
        tpu.wait_indirect_dma semaphore(%arg12 : memref<!tpu.dma_semaphore, #tpu.memory_space<semaphore_mem>>) src(%dma_wait3A_78 : memref<10000x128xf32, #tpu.memory_space<hbm>>) dst(%arg11 : memref<96x128xf32, #tpu.memory_space<vmem>>)
        %mul3A_79 = arith.constant 96 : i32
        %mul3A_80 = arith.muli %mul3A_65, %mul3A_79 : i32
        "tpu.region"() ({
          %run_scoped3A = tpu.sem_alloc : memref<!tpu.dma_semaphore, #tpu.memory_space<semaphore_mem>>
          %dma_start3A_101 = tpu.memref_slice %arg10[%mul3A_80] : memref<10000xi32, #tpu.memory_space<vmem>> -> memref<96xi32, #tpu.memory_space<vmem>>
          %dma_start3A_102 = arith.constant 0 : i32
          %dma_start3A_103 = arith.constant 0 : i32
          %dma_start3A_104 = tpu.memref_slice %arg17[%dma_start3A_102, %dma_start3A_103] : memref<10000x128xf32, #tpu.memory_space<vmem_shared>> -> memref<10000x128xf32, #tpu.memory_space<vmem_shared>>
          tpu.enqueue_indirect_dma source(%arg11 : memref<96x128xf32, #tpu.memory_space<vmem>>) target(%dma_start3A_104 : memref<10000x128xf32, #tpu.memory_space<vmem_shared>>) offsets(%dma_start3A_101 : memref<96xi32, #tpu.memory_space<vmem>>) semaphore(%run_scoped3A : memref<!tpu.dma_semaphore, #tpu.memory_space<semaphore_mem>>) {add = true}
          %dma_wait3A_105 = tpu.memref_slice %arg10[%mul3A_80] : memref<10000xi32, #tpu.memory_space<vmem>> -> memref<96xi32, #tpu.memory_space<vmem>>
          %dma_wait3A_106 = arith.constant 0 : i32
          %dma_wait3A_107 = arith.constant 0 : i32
          %dma_wait3A_108 = tpu.memref_slice %arg17[%dma_wait3A_106, %dma_wait3A_107] : memref<10000x128xf32, #tpu.memory_space<vmem_shared>> -> memref<10000x128xf32, #tpu.memory_space<vmem_shared>>
          tpu.wait_indirect_dma semaphore(%run_scoped3A : memref<!tpu.dma_semaphore, #tpu.memory_space<semaphore_mem>>) src(%arg11 : memref<96x128xf32, #tpu.memory_space<vmem>>) dst(%dma_wait3A_108 : memref<10000x128xf32, #tpu.memory_space<vmem_shared>>)
          tpu.yield
        }) : () -> ()
        %add3A_81 = arith.constant 2 : i32
        %add3A_82 = arith.addi %mul3A_65, %add3A_81 : i32
        %mul3A_83 = arith.constant 96 : i32
        %mul3A_84 = arith.muli %add3A_82, %mul3A_83 : i32
        %dma_start3A_85 = tpu.memref_slice %arg9[%mul3A_84] : memref<10000xi32, #tpu.memory_space<vmem>> -> memref<96xi32, #tpu.memory_space<vmem>>
        %dma_start3A_86 = arith.constant 0 : i32
        %dma_start3A_87 = arith.constant 0 : i32
        %dma_start3A_88 = tpu.memref_slice %arg2[%dma_start3A_86, %dma_start3A_87] : memref<10000x128xf32, #tpu.memory_space<hbm>> -> memref<10000x128xf32, #tpu.memory_space<hbm>>
        tpu.enqueue_indirect_dma source(%dma_start3A_88 : memref<10000x128xf32, #tpu.memory_space<hbm>>) target(%arg11 : memref<96x128xf32, #tpu.memory_space<vmem>>) offsets(%dma_start3A_85 : memref<96xi32, #tpu.memory_space<vmem>>) semaphore(%arg12 : memref<!tpu.dma_semaphore, #tpu.memory_space<semaphore_mem>>)
        %add3A_89 = arith.constant 1 : i32
        %add3A_90 = arith.addi %mul3A_65, %add3A_89 : i32
        %mul3A_91 = arith.constant 96 : i32
        %mul3A_92 = arith.muli %add3A_90, %mul3A_91 : i32
        %dma_wait3A_93 = tpu.memref_slice %arg9[%mul3A_92] : memref<10000xi32, #tpu.memory_space<vmem>> -> memref<96xi32, #tpu.memory_space<vmem>>
        %dma_wait3A_94 = arith.constant 0 : i32
        %dma_wait3A_95 = arith.constant 0 : i32
        %dma_wait3A_96 = tpu.memref_slice %arg2[%dma_wait3A_94, %dma_wait3A_95] : memref<10000x128xf32, #tpu.memory_space<hbm>> -> memref<10000x128xf32, #tpu.memory_space<hbm>>
        tpu.wait_indirect_dma semaphore(%arg14 : memref<!tpu.dma_semaphore, #tpu.memory_space<semaphore_mem>>) src(%dma_wait3A_96 : memref<10000x128xf32, #tpu.memory_space<hbm>>) dst(%arg13 : memref<96x128xf32, #tpu.memory_space<vmem>>)
        %add3A_97 = arith.constant 1 : i32
        %add3A_98 = arith.addi %mul3A_65, %add3A_97 : i32
        %mul3A_99 = arith.constant 96 : i32
        %mul3A_100 = arith.muli %add3A_98, %mul3A_99 : i32
        "tpu.region"() ({
          %run_scoped3A = tpu.sem_alloc : memref<!tpu.dma_semaphore, #tpu.memory_space<semaphore_mem>>
          %dma_start3A_101 = tpu.memref_slice %arg10[%mul3A_100] : memref<10000xi32, #tpu.memory_space<vmem>> -> memref<96xi32, #tpu.memory_space<vmem>>
          %dma_start3A_102 = arith.constant 0 : i32
          %dma_start3A_103 = arith.constant 0 : i32
          %dma_start3A_104 = tpu.memref_slice %arg17[%dma_start3A_102, %dma_start3A_103] : memref<10000x128xf32, #tpu.memory_space<vmem_shared>> -> memref<10000x128xf32, #tpu.memory_space<vmem_shared>>
          tpu.enqueue_indirect_dma source(%arg13 : memref<96x128xf32, #tpu.memory_space<vmem>>) target(%dma_start3A_104 : memref<10000x128xf32, #tpu.memory_space<vmem_shared>>) offsets(%dma_start3A_101 : memref<96xi32, #tpu.memory_space<vmem>>) semaphore(%run_scoped3A : memref<!tpu.dma_semaphore, #tpu.memory_space<semaphore_mem>>) {add = true}
          %dma_wait3A_105 = tpu.memref_slice %arg10[%mul3A_100] : memref<10000xi32, #tpu.memory_space<vmem>> -> memref<96xi32, #tpu.memory_space<vmem>>
          %dma_wait3A_106 = arith.constant 0 : i32
          %dma_wait3A_107 = arith.constant 0 : i32
          %dma_wait3A_108 = tpu.memref_slice %arg17[%dma_wait3A_106, %dma_wait3A_107] : memref<10000x128xf32, #tpu.memory_space<vmem_shared>> -> memref<10000x128xf32, #tpu.memory_space<vmem_shared>>
          tpu.wait_indirect_dma semaphore(%run_scoped3A : memref<!tpu.dma_semaphore, #tpu.memory_space<semaphore_mem>>) src(%arg13 : memref<96x128xf32, #tpu.memory_space<vmem>>) dst(%dma_wait3A_108 : memref<10000x128xf32, #tpu.memory_space<vmem_shared>>)
          tpu.yield
        }) : () -> ()
      }
      %scan3A_44 = arith.constant 51 : i32
      %dma_start3A = arith.constant 9888 : i32
      %dma_start3A_45 = tpu.memref_slice %arg9[%dma_start3A] : memref<10000xi32, #tpu.memory_space<vmem>> -> memref<96xi32, #tpu.memory_space<vmem>>
      %dma_start3A_46 = arith.constant 0 : i32
      %dma_start3A_47 = arith.constant 0 : i32
      %dma_start3A_48 = tpu.memref_slice %arg2[%dma_start3A_46, %dma_start3A_47] : memref<10000x128xf32, #tpu.memory_space<hbm>> -> memref<10000x128xf32, #tpu.memory_space<hbm>>
      tpu.enqueue_indirect_dma source(%dma_start3A_48 : memref<10000x128xf32, #tpu.memory_space<hbm>>) target(%arg13 : memref<96x128xf32, #tpu.memory_space<vmem>>) offsets(%dma_start3A_45 : memref<96xi32, #tpu.memory_space<vmem>>) semaphore(%arg14 : memref<!tpu.dma_semaphore, #tpu.memory_space<semaphore_mem>>)
      %dma_wait3A = arith.constant 9792 : i32
      %dma_wait3A_49 = tpu.memref_slice %arg9[%dma_wait3A] : memref<10000xi32, #tpu.memory_space<vmem>> -> memref<96xi32, #tpu.memory_space<vmem>>
      %dma_wait3A_50 = arith.constant 0 : i32
      %dma_wait3A_51 = arith.constant 0 : i32
      %dma_wait3A_52 = tpu.memref_slice %arg2[%dma_wait3A_50, %dma_wait3A_51] : memref<10000x128xf32, #tpu.memory_space<hbm>> -> memref<10000x128xf32, #tpu.memory_space<hbm>>
      tpu.wait_indirect_dma semaphore(%arg12 : memref<!tpu.dma_semaphore, #tpu.memory_space<semaphore_mem>>) src(%dma_wait3A_52 : memref<10000x128xf32, #tpu.memory_space<hbm>>) dst(%arg11 : memref<96x128xf32, #tpu.memory_space<vmem>>)
      "tpu.region"() ({
        %run_scoped3A = tpu.sem_alloc : memref<!tpu.dma_semaphore, #tpu.memory_space<semaphore_mem>>
        %dma_start3A_63 = arith.constant 9792 : i32
        %dma_start3A_64 = tpu.memref_slice %arg10[%dma_start3A_63] : memref<10000xi32, #tpu.memory_space<vmem>> -> memref<96xi32, #tpu.memory_space<vmem>>
        %dma_start3A_65 = arith.constant 0 : i32
        %dma_start3A_66 = arith.constant 0 : i32
        %dma_start3A_67 = tpu.memref_slice %arg17[%dma_start3A_65, %dma_start3A_66] : memref<10000x128xf32, #tpu.memory_space<vmem_shared>> -> memref<10000x128xf32, #tpu.memory_space<vmem_shared>>
        tpu.enqueue_indirect_dma source(%arg11 : memref<96x128xf32, #tpu.memory_space<vmem>>) target(%dma_start3A_67 : memref<10000x128xf32, #tpu.memory_space<vmem_shared>>) offsets(%dma_start3A_64 : memref<96xi32, #tpu.memory_space<vmem>>) semaphore(%run_scoped3A : memref<!tpu.dma_semaphore, #tpu.memory_space<semaphore_mem>>) {add = true}
        %dma_wait3A_68 = arith.constant 9792 : i32
        %dma_wait3A_69 = tpu.memref_slice %arg10[%dma_wait3A_68] : memref<10000xi32, #tpu.memory_space<vmem>> -> memref<96xi32, #tpu.memory_space<vmem>>
        %dma_wait3A_70 = arith.constant 0 : i32
        %dma_wait3A_71 = arith.constant 0 : i32
        %dma_wait3A_72 = tpu.memref_slice %arg17[%dma_wait3A_70, %dma_wait3A_71] : memref<10000x128xf32, #tpu.memory_space<vmem_shared>> -> memref<10000x128xf32, #tpu.memory_space<vmem_shared>>
        tpu.wait_indirect_dma semaphore(%run_scoped3A : memref<!tpu.dma_semaphore, #tpu.memory_space<semaphore_mem>>) src(%arg11 : memref<96x128xf32, #tpu.memory_space<vmem>>) dst(%dma_wait3A_72 : memref<10000x128xf32, #tpu.memory_space<vmem_shared>>)
        tpu.yield
      }) : () -> ()
      %dma_wait3A_53 = arith.constant 9888 : i32
      %dma_wait3A_54 = tpu.memref_slice %arg9[%dma_wait3A_53] : memref<10000xi32, #tpu.memory_space<vmem>> -> memref<96xi32, #tpu.memory_space<vmem>>
      %dma_wait3A_55 = arith.constant 0 : i32
      %dma_wait3A_56 = arith.constant 0 : i32
      %dma_wait3A_57 = tpu.memref_slice %arg2[%dma_wait3A_55, %dma_wait3A_56] : memref<10000x128xf32, #tpu.memory_space<hbm>> -> memref<10000x128xf32, #tpu.memory_space<hbm>>
      tpu.wait_indirect_dma semaphore(%arg14 : memref<!tpu.dma_semaphore, #tpu.memory_space<semaphore_mem>>) src(%dma_wait3A_57 : memref<10000x128xf32, #tpu.memory_space<hbm>>) dst(%arg13 : memref<96x128xf32, #tpu.memory_space<vmem>>)
      "tpu.region"() ({
        %run_scoped3A = tpu.sem_alloc : memref<!tpu.dma_semaphore, #tpu.memory_space<semaphore_mem>>
        %dma_start3A_63 = arith.constant 9888 : i32
        %dma_start3A_64 = tpu.memref_slice %arg10[%dma_start3A_63] : memref<10000xi32, #tpu.memory_space<vmem>> -> memref<96xi32, #tpu.memory_space<vmem>>
        %dma_start3A_65 = arith.constant 0 : i32
        %dma_start3A_66 = arith.constant 0 : i32
        %dma_start3A_67 = tpu.memref_slice %arg17[%dma_start3A_65, %dma_start3A_66] : memref<10000x128xf32, #tpu.memory_space<vmem_shared>> -> memref<10000x128xf32, #tpu.memory_space<vmem_shared>>
        tpu.enqueue_indirect_dma source(%arg13 : memref<96x128xf32, #tpu.memory_space<vmem>>) target(%dma_start3A_67 : memref<10000x128xf32, #tpu.memory_space<vmem_shared>>) offsets(%dma_start3A_64 : memref<96xi32, #tpu.memory_space<vmem>>) semaphore(%run_scoped3A : memref<!tpu.dma_semaphore, #tpu.memory_space<semaphore_mem>>) {add = true}
        %dma_wait3A_68 = arith.constant 9888 : i32
        %dma_wait3A_69 = tpu.memref_slice %arg10[%dma_wait3A_68] : memref<10000xi32, #tpu.memory_space<vmem>> -> memref<96xi32, #tpu.memory_space<vmem>>
        %dma_wait3A_70 = arith.constant 0 : i32
        %dma_wait3A_71 = arith.constant 0 : i32
        %dma_wait3A_72 = tpu.memref_slice %arg17[%dma_wait3A_70, %dma_wait3A_71] : memref<10000x128xf32, #tpu.memory_space<vmem_shared>> -> memref<10000x128xf32, #tpu.memory_space<vmem_shared>>
        tpu.wait_indirect_dma semaphore(%run_scoped3A : memref<!tpu.dma_semaphore, #tpu.memory_space<semaphore_mem>>) src(%arg13 : memref<96x128xf32, #tpu.memory_space<vmem>>) dst(%dma_wait3A_72 : memref<10000x128xf32, #tpu.memory_space<vmem_shared>>)
        tpu.yield
      }) : () -> ()
      %dma_wait3A_58 = arith.constant 9984 : i32
      %dma_wait3A_59 = tpu.memref_slice %arg9[%dma_wait3A_58] : memref<10000xi32, #tpu.memory_space<vmem>> -> memref<16xi32, #tpu.memory_space<vmem>>
      %dma_wait3A_60 = arith.constant 0 : i32
      %dma_wait3A_61 = arith.constant 0 : i32
      %dma_wait3A_62 = tpu.memref_slice %arg2[%dma_wait3A_60, %dma_wait3A_61] : memref<10000x128xf32, #tpu.memory_space<hbm>> -> memref<10000x128xf32, #tpu.memory_space<hbm>>
      tpu.wait_indirect_dma semaphore(%arg16 : memref<!tpu.dma_semaphore, #tpu.memory_space<semaphore_mem>>) src(%dma_wait3A_62 : memref<10000x128xf32, #tpu.memory_space<hbm>>) dst(%arg15 : memref<16x128xf32, #tpu.memory_space<vmem>>)
      "tpu.region"() ({
        %run_scoped3A = tpu.sem_alloc : memref<!tpu.dma_semaphore, #tpu.memory_space<semaphore_mem>>
        %dma_start3A_63 = arith.constant 9984 : i32
        %dma_start3A_64 = tpu.memref_slice %arg10[%dma_start3A_63] : memref<10000xi32, #tpu.memory_space<vmem>> -> memref<16xi32, #tpu.memory_space<vmem>>
        %dma_start3A_65 = arith.constant 0 : i32
        %dma_start3A_66 = arith.constant 0 : i32
        %dma_start3A_67 = tpu.memref_slice %arg17[%dma_start3A_65, %dma_start3A_66] : memref<10000x128xf32, #tpu.memory_space<vmem_shared>> -> memref<10000x128xf32, #tpu.memory_space<vmem_shared>>
        tpu.enqueue_indirect_dma source(%arg15 : memref<16x128xf32, #tpu.memory_space<vmem>>) target(%dma_start3A_67 : memref<10000x128xf32, #tpu.memory_space<vmem_shared>>) offsets(%dma_start3A_64 : memref<16xi32, #tpu.memory_space<vmem>>) semaphore(%run_scoped3A : memref<!tpu.dma_semaphore, #tpu.memory_space<semaphore_mem>>) {add = true}
        %dma_wait3A_68 = arith.constant 9984 : i32
        %dma_wait3A_69 = tpu.memref_slice %arg10[%dma_wait3A_68] : memref<10000xi32, #tpu.memory_space<vmem>> -> memref<16xi32, #tpu.memory_space<vmem>>
        %dma_wait3A_70 = arith.constant 0 : i32
        %dma_wait3A_71 = arith.constant 0 : i32
        %dma_wait3A_72 = tpu.memref_slice %arg17[%dma_wait3A_70, %dma_wait3A_71] : memref<10000x128xf32, #tpu.memory_space<vmem_shared>> -> memref<10000x128xf32, #tpu.memory_space<vmem_shared>>
        tpu.wait_indirect_dma semaphore(%run_scoped3A : memref<!tpu.dma_semaphore, #tpu.memory_space<semaphore_mem>>) src(%arg15 : memref<16x128xf32, #tpu.memory_space<vmem>>) dst(%dma_wait3A_72 : memref<10000x128xf32, #tpu.memory_space<vmem_shared>>)
        tpu.yield
      }) : () -> ()
    } else {
    }
    %eq3A_24 = arith.constant 1 : i32
    %eq3A_25 = arith.cmpi eq, %arg0, %eq3A_24 : i32
    %convert_element_type3A_26 = arith.extui %eq3A_25 : i1 to i32
    %cond3A_27 = arith.constant 0 : i32
    %cond3A_28 = arith.cmpi ne, %convert_element_type3A_26, %cond3A_27 : i32
    scf.if %cond3A_28 {
      %scan3A = arith.constant 0 : i32
      %scan3A_40 = arith.constant 0 : i32
      %scan3A_41 = arith.constant 51 : i32
      %scan3A_42 = arith.addi %scan3A_40, %scan3A_41 : i32
      %scan3A_43 = arith.constant 1 : i32
      scf.for %scan3A_63 = %scan3A_40 to %scan3A_42 step %scan3A_43  : i32 {
        %mul3A_64 = arith.constant 2 : i32
        %mul3A_65 = arith.muli %mul3A_64, %scan3A_63 : i32
        %add3A = arith.constant 1 : i32
        %add3A_66 = arith.addi %mul3A_65, %add3A : i32
        %mul3A_67 = arith.constant 96 : i32
        %mul3A_68 = arith.muli %add3A_66, %mul3A_67 : i32
        %dma_start3A_69 = tpu.memref_slice %arg9[%mul3A_68] : memref<10000xi32, #tpu.memory_space<vmem>> -> memref<96xi32, #tpu.memory_space<vmem>>
        %dma_start3A_70 = arith.constant 0 : i32
        %dma_start3A_71 = arith.constant 0 : i32
        %dma_start3A_72 = tpu.memref_slice %arg3[%dma_start3A_70, %dma_start3A_71] : memref<10000x128xf32, #tpu.memory_space<hbm>> -> memref<10000x128xf32, #tpu.memory_space<hbm>>
        tpu.enqueue_indirect_dma source(%dma_start3A_72 : memref<10000x128xf32, #tpu.memory_space<hbm>>) target(%arg13 : memref<96x128xf32, #tpu.memory_space<vmem>>) offsets(%dma_start3A_69 : memref<96xi32, #tpu.memory_space<vmem>>) semaphore(%arg14 : memref<!tpu.dma_semaphore, #tpu.memory_space<semaphore_mem>>)
        %mul3A_73 = arith.constant 96 : i32
        %mul3A_74 = arith.muli %mul3A_65, %mul3A_73 : i32
        %dma_wait3A_75 = tpu.memref_slice %arg9[%mul3A_74] : memref<10000xi32, #tpu.memory_space<vmem>> -> memref<96xi32, #tpu.memory_space<vmem>>
        %dma_wait3A_76 = arith.constant 0 : i32
        %dma_wait3A_77 = arith.constant 0 : i32
        %dma_wait3A_78 = tpu.memref_slice %arg3[%dma_wait3A_76, %dma_wait3A_77] : memref<10000x128xf32, #tpu.memory_space<hbm>> -> memref<10000x128xf32, #tpu.memory_space<hbm>>
        tpu.wait_indirect_dma semaphore(%arg12 : memref<!tpu.dma_semaphore, #tpu.memory_space<semaphore_mem>>) src(%dma_wait3A_78 : memref<10000x128xf32, #tpu.memory_space<hbm>>) dst(%arg11 : memref<96x128xf32, #tpu.memory_space<vmem>>)
        %mul3A_79 = arith.constant 96 : i32
        %mul3A_80 = arith.muli %mul3A_65, %mul3A_79 : i32
        "tpu.region"() ({
          %run_scoped3A = tpu.sem_alloc : memref<!tpu.dma_semaphore, #tpu.memory_space<semaphore_mem>>
          %dma_start3A_101 = tpu.memref_slice %arg10[%mul3A_80] : memref<10000xi32, #tpu.memory_space<vmem>> -> memref<96xi32, #tpu.memory_space<vmem>>
          %dma_start3A_102 = arith.constant 0 : i32
          %dma_start3A_103 = arith.constant 0 : i32
          %dma_start3A_104 = tpu.memref_slice %arg17[%dma_start3A_102, %dma_start3A_103] : memref<10000x128xf32, #tpu.memory_space<vmem_shared>> -> memref<10000x128xf32, #tpu.memory_space<vmem_shared>>
          tpu.enqueue_indirect_dma source(%arg11 : memref<96x128xf32, #tpu.memory_space<vmem>>) target(%dma_start3A_104 : memref<10000x128xf32, #tpu.memory_space<vmem_shared>>) offsets(%dma_start3A_101 : memref<96xi32, #tpu.memory_space<vmem>>) semaphore(%run_scoped3A : memref<!tpu.dma_semaphore, #tpu.memory_space<semaphore_mem>>) {add = true}
          %dma_wait3A_105 = tpu.memref_slice %arg10[%mul3A_80] : memref<10000xi32, #tpu.memory_space<vmem>> -> memref<96xi32, #tpu.memory_space<vmem>>
          %dma_wait3A_106 = arith.constant 0 : i32
          %dma_wait3A_107 = arith.constant 0 : i32
          %dma_wait3A_108 = tpu.memref_slice %arg17[%dma_wait3A_106, %dma_wait3A_107] : memref<10000x128xf32, #tpu.memory_space<vmem_shared>> -> memref<10000x128xf32, #tpu.memory_space<vmem_shared>>
          tpu.wait_indirect_dma semaphore(%run_scoped3A : memref<!tpu.dma_semaphore, #tpu.memory_space<semaphore_mem>>) src(%arg11 : memref<96x128xf32, #tpu.memory_space<vmem>>) dst(%dma_wait3A_108 : memref<10000x128xf32, #tpu.memory_space<vmem_shared>>)
          tpu.yield
        }) : () -> ()
        %add3A_81 = arith.constant 2 : i32
        %add3A_82 = arith.addi %mul3A_65, %add3A_81 : i32
        %mul3A_83 = arith.constant 96 : i32
        %mul3A_84 = arith.muli %add3A_82, %mul3A_83 : i32
        %dma_start3A_85 = tpu.memref_slice %arg9[%mul3A_84] : memref<10000xi32, #tpu.memory_space<vmem>> -> memref<96xi32, #tpu.memory_space<vmem>>
        %dma_start3A_86 = arith.constant 0 : i32
        %dma_start3A_87 = arith.constant 0 : i32
        %dma_start3A_88 = tpu.memref_slice %arg3[%dma_start3A_86, %dma_start3A_87] : memref<10000x128xf32, #tpu.memory_space<hbm>> -> memref<10000x128xf32, #tpu.memory_space<hbm>>
        tpu.enqueue_indirect_dma source(%dma_start3A_88 : memref<10000x128xf32, #tpu.memory_space<hbm>>) target(%arg11 : memref<96x128xf32, #tpu.memory_space<vmem>>) offsets(%dma_start3A_85 : memref<96xi32, #tpu.memory_space<vmem>>) semaphore(%arg12 : memref<!tpu.dma_semaphore, #tpu.memory_space<semaphore_mem>>)
        %add3A_89 = arith.constant 1 : i32
        %add3A_90 = arith.addi %mul3A_65, %add3A_89 : i32
        %mul3A_91 = arith.constant 96 : i32
        %mul3A_92 = arith.muli %add3A_90, %mul3A_91 : i32
        %dma_wait3A_93 = tpu.memref_slice %arg9[%mul3A_92] : memref<10000xi32, #tpu.memory_space<vmem>> -> memref<96xi32, #tpu.memory_space<vmem>>
        %dma_wait3A_94 = arith.constant 0 : i32
        %dma_wait3A_95 = arith.constant 0 : i32
        %dma_wait3A_96 = tpu.memref_slice %arg3[%dma_wait3A_94, %dma_wait3A_95] : memref<10000x128xf32, #tpu.memory_space<hbm>> -> memref<10000x128xf32, #tpu.memory_space<hbm>>
        tpu.wait_indirect_dma semaphore(%arg14 : memref<!tpu.dma_semaphore, #tpu.memory_space<semaphore_mem>>) src(%dma_wait3A_96 : memref<10000x128xf32, #tpu.memory_space<hbm>>) dst(%arg13 : memref<96x128xf32, #tpu.memory_space<vmem>>)
        %add3A_97 = arith.constant 1 : i32
        %add3A_98 = arith.addi %mul3A_65, %add3A_97 : i32
        %mul3A_99 = arith.constant 96 : i32
        %mul3A_100 = arith.muli %add3A_98, %mul3A_99 : i32
        "tpu.region"() ({
          %run_scoped3A = tpu.sem_alloc : memref<!tpu.dma_semaphore, #tpu.memory_space<semaphore_mem>>
          %dma_start3A_101 = tpu.memref_slice %arg10[%mul3A_100] : memref<10000xi32, #tpu.memory_space<vmem>> -> memref<96xi32, #tpu.memory_space<vmem>>
          %dma_start3A_102 = arith.constant 0 : i32
          %dma_start3A_103 = arith.constant 0 : i32
          %dma_start3A_104 = tpu.memref_slice %arg17[%dma_start3A_102, %dma_start3A_103] : memref<10000x128xf32, #tpu.memory_space<vmem_shared>> -> memref<10000x128xf32, #tpu.memory_space<vmem_shared>>
          tpu.enqueue_indirect_dma source(%arg13 : memref<96x128xf32, #tpu.memory_space<vmem>>) target(%dma_start3A_104 : memref<10000x128xf32, #tpu.memory_space<vmem_shared>>) offsets(%dma_start3A_101 : memref<96xi32, #tpu.memory_space<vmem>>) semaphore(%run_scoped3A : memref<!tpu.dma_semaphore, #tpu.memory_space<semaphore_mem>>) {add = true}
          %dma_wait3A_105 = tpu.memref_slice %arg10[%mul3A_100] : memref<10000xi32, #tpu.memory_space<vmem>> -> memref<96xi32, #tpu.memory_space<vmem>>
          %dma_wait3A_106 = arith.constant 0 : i32
          %dma_wait3A_107 = arith.constant 0 : i32
          %dma_wait3A_108 = tpu.memref_slice %arg17[%dma_wait3A_106, %dma_wait3A_107] : memref<10000x128xf32, #tpu.memory_space<vmem_shared>> -> memref<10000x128xf32, #tpu.memory_space<vmem_shared>>
          tpu.wait_indirect_dma semaphore(%run_scoped3A : memref<!tpu.dma_semaphore, #tpu.memory_space<semaphore_mem>>) src(%arg13 : memref<96x128xf32, #tpu.memory_space<vmem>>) dst(%dma_wait3A_108 : memref<10000x128xf32, #tpu.memory_space<vmem_shared>>)
          tpu.yield
        }) : () -> ()
      }
      %scan3A_44 = arith.constant 51 : i32
      %dma_start3A = arith.constant 9888 : i32
      %dma_start3A_45 = tpu.memref_slice %arg9[%dma_start3A] : memref<10000xi32, #tpu.memory_space<vmem>> -> memref<96xi32, #tpu.memory_space<vmem>>
      %dma_start3A_46 = arith.constant 0 : i32
      %dma_start3A_47 = arith.constant 0 : i32
      %dma_start3A_48 = tpu.memref_slice %arg3[%dma_start3A_46, %dma_start3A_47] : memref<10000x128xf32, #tpu.memory_space<hbm>> -> memref<10000x128xf32, #tpu.memory_space<hbm>>
      tpu.enqueue_indirect_dma source(%dma_start3A_48 : memref<10000x128xf32, #tpu.memory_space<hbm>>) target(%arg13 : memref<96x128xf32, #tpu.memory_space<vmem>>) offsets(%dma_start3A_45 : memref<96xi32, #tpu.memory_space<vmem>>) semaphore(%arg14 : memref<!tpu.dma_semaphore, #tpu.memory_space<semaphore_mem>>)
      %dma_wait3A = arith.constant 9792 : i32
      %dma_wait3A_49 = tpu.memref_slice %arg9[%dma_wait3A] : memref<10000xi32, #tpu.memory_space<vmem>> -> memref<96xi32, #tpu.memory_space<vmem>>
      %dma_wait3A_50 = arith.constant 0 : i32
      %dma_wait3A_51 = arith.constant 0 : i32
      %dma_wait3A_52 = tpu.memref_slice %arg3[%dma_wait3A_50, %dma_wait3A_51] : memref<10000x128xf32, #tpu.memory_space<hbm>> -> memref<10000x128xf32, #tpu.memory_space<hbm>>
      tpu.wait_indirect_dma semaphore(%arg12 : memref<!tpu.dma_semaphore, #tpu.memory_space<semaphore_mem>>) src(%dma_wait3A_52 : memref<10000x128xf32, #tpu.memory_space<hbm>>) dst(%arg11 : memref<96x128xf32, #tpu.memory_space<vmem>>)
      "tpu.region"() ({
        %run_scoped3A = tpu.sem_alloc : memref<!tpu.dma_semaphore, #tpu.memory_space<semaphore_mem>>
        %dma_start3A_63 = arith.constant 9792 : i32
        %dma_start3A_64 = tpu.memref_slice %arg10[%dma_start3A_63] : memref<10000xi32, #tpu.memory_space<vmem>> -> memref<96xi32, #tpu.memory_space<vmem>>
        %dma_start3A_65 = arith.constant 0 : i32
        %dma_start3A_66 = arith.constant 0 : i32
        %dma_start3A_67 = tpu.memref_slice %arg17[%dma_start3A_65, %dma_start3A_66] : memref<10000x128xf32, #tpu.memory_space<vmem_shared>> -> memref<10000x128xf32, #tpu.memory_space<vmem_shared>>
        tpu.enqueue_indirect_dma source(%arg11 : memref<96x128xf32, #tpu.memory_space<vmem>>) target(%dma_start3A_67 : memref<10000x128xf32, #tpu.memory_space<vmem_shared>>) offsets(%dma_start3A_64 : memref<96xi32, #tpu.memory_space<vmem>>) semaphore(%run_scoped3A : memref<!tpu.dma_semaphore, #tpu.memory_space<semaphore_mem>>) {add = true}
        %dma_wait3A_68 = arith.constant 9792 : i32
        %dma_wait3A_69 = tpu.memref_slice %arg10[%dma_wait3A_68] : memref<10000xi32, #tpu.memory_space<vmem>> -> memref<96xi32, #tpu.memory_space<vmem>>
        %dma_wait3A_70 = arith.constant 0 : i32
        %dma_wait3A_71 = arith.constant 0 : i32
        %dma_wait3A_72 = tpu.memref_slice %arg17[%dma_wait3A_70, %dma_wait3A_71] : memref<10000x128xf32, #tpu.memory_space<vmem_shared>> -> memref<10000x128xf32, #tpu.memory_space<vmem_shared>>
        tpu.wait_indirect_dma semaphore(%run_scoped3A : memref<!tpu.dma_semaphore, #tpu.memory_space<semaphore_mem>>) src(%arg11 : memref<96x128xf32, #tpu.memory_space<vmem>>) dst(%dma_wait3A_72 : memref<10000x128xf32, #tpu.memory_space<vmem_shared>>)
        tpu.yield
      }) : () -> ()
      %dma_wait3A_53 = arith.constant 9888 : i32
      %dma_wait3A_54 = tpu.memref_slice %arg9[%dma_wait3A_53] : memref<10000xi32, #tpu.memory_space<vmem>> -> memref<96xi32, #tpu.memory_space<vmem>>
      %dma_wait3A_55 = arith.constant 0 : i32
      %dma_wait3A_56 = arith.constant 0 : i32
      %dma_wait3A_57 = tpu.memref_slice %arg3[%dma_wait3A_55, %dma_wait3A_56] : memref<10000x128xf32, #tpu.memory_space<hbm>> -> memref<10000x128xf32, #tpu.memory_space<hbm>>
      tpu.wait_indirect_dma semaphore(%arg14 : memref<!tpu.dma_semaphore, #tpu.memory_space<semaphore_mem>>) src(%dma_wait3A_57 : memref<10000x128xf32, #tpu.memory_space<hbm>>) dst(%arg13 : memref<96x128xf32, #tpu.memory_space<vmem>>)
      "tpu.region"() ({
        %run_scoped3A = tpu.sem_alloc : memref<!tpu.dma_semaphore, #tpu.memory_space<semaphore_mem>>
        %dma_start3A_63 = arith.constant 9888 : i32
        %dma_start3A_64 = tpu.memref_slice %arg10[%dma_start3A_63] : memref<10000xi32, #tpu.memory_space<vmem>> -> memref<96xi32, #tpu.memory_space<vmem>>
        %dma_start3A_65 = arith.constant 0 : i32
        %dma_start3A_66 = arith.constant 0 : i32
        %dma_start3A_67 = tpu.memref_slice %arg17[%dma_start3A_65, %dma_start3A_66] : memref<10000x128xf32, #tpu.memory_space<vmem_shared>> -> memref<10000x128xf32, #tpu.memory_space<vmem_shared>>
        tpu.enqueue_indirect_dma source(%arg13 : memref<96x128xf32, #tpu.memory_space<vmem>>) target(%dma_start3A_67 : memref<10000x128xf32, #tpu.memory_space<vmem_shared>>) offsets(%dma_start3A_64 : memref<96xi32, #tpu.memory_space<vmem>>) semaphore(%run_scoped3A : memref<!tpu.dma_semaphore, #tpu.memory_space<semaphore_mem>>) {add = true}
        %dma_wait3A_68 = arith.constant 9888 : i32
        %dma_wait3A_69 = tpu.memref_slice %arg10[%dma_wait3A_68] : memref<10000xi32, #tpu.memory_space<vmem>> -> memref<96xi32, #tpu.memory_space<vmem>>
        %dma_wait3A_70 = arith.constant 0 : i32
        %dma_wait3A_71 = arith.constant 0 : i32
        %dma_wait3A_72 = tpu.memref_slice %arg17[%dma_wait3A_70, %dma_wait3A_71] : memref<10000x128xf32, #tpu.memory_space<vmem_shared>> -> memref<10000x128xf32, #tpu.memory_space<vmem_shared>>
        tpu.wait_indirect_dma semaphore(%run_scoped3A : memref<!tpu.dma_semaphore, #tpu.memory_space<semaphore_mem>>) src(%arg13 : memref<96x128xf32, #tpu.memory_space<vmem>>) dst(%dma_wait3A_72 : memref<10000x128xf32, #tpu.memory_space<vmem_shared>>)
        tpu.yield
      }) : () -> ()
      %dma_wait3A_58 = arith.constant 9984 : i32
      %dma_wait3A_59 = tpu.memref_slice %arg9[%dma_wait3A_58] : memref<10000xi32, #tpu.memory_space<vmem>> -> memref<16xi32, #tpu.memory_space<vmem>>
      %dma_wait3A_60 = arith.constant 0 : i32
      %dma_wait3A_61 = arith.constant 0 : i32
      %dma_wait3A_62 = tpu.memref_slice %arg3[%dma_wait3A_60, %dma_wait3A_61] : memref<10000x128xf32, #tpu.memory_space<hbm>> -> memref<10000x128xf32, #tpu.memory_space<hbm>>
      tpu.wait_indirect_dma semaphore(%arg16 : memref<!tpu.dma_semaphore, #tpu.memory_space<semaphore_mem>>) src(%dma_wait3A_62 : memref<10000x128xf32, #tpu.memory_space<hbm>>) dst(%arg15 : memref<16x128xf32, #tpu.memory_space<vmem>>)
      "tpu.region"() ({
        %run_scoped3A = tpu.sem_alloc : memref<!tpu.dma_semaphore, #tpu.memory_space<semaphore_mem>>
        %dma_start3A_63 = arith.constant 9984 : i32
        %dma_start3A_64 = tpu.memref_slice %arg10[%dma_start3A_63] : memref<10000xi32, #tpu.memory_space<vmem>> -> memref<16xi32, #tpu.memory_space<vmem>>
        %dma_start3A_65 = arith.constant 0 : i32
        %dma_start3A_66 = arith.constant 0 : i32
        %dma_start3A_67 = tpu.memref_slice %arg17[%dma_start3A_65, %dma_start3A_66] : memref<10000x128xf32, #tpu.memory_space<vmem_shared>> -> memref<10000x128xf32, #tpu.memory_space<vmem_shared>>
        tpu.enqueue_indirect_dma source(%arg15 : memref<16x128xf32, #tpu.memory_space<vmem>>) target(%dma_start3A_67 : memref<10000x128xf32, #tpu.memory_space<vmem_shared>>) offsets(%dma_start3A_64 : memref<16xi32, #tpu.memory_space<vmem>>) semaphore(%run_scoped3A : memref<!tpu.dma_semaphore, #tpu.memory_space<semaphore_mem>>) {add = true}
        %dma_wait3A_68 = arith.constant 9984 : i32
        %dma_wait3A_69 = tpu.memref_slice %arg10[%dma_wait3A_68] : memref<10000xi32, #tpu.memory_space<vmem>> -> memref<16xi32, #tpu.memory_space<vmem>>
        %dma_wait3A_70 = arith.constant 0 : i32
        %dma_wait3A_71 = arith.constant 0 : i32
        %dma_wait3A_72 = tpu.memref_slice %arg17[%dma_wait3A_70, %dma_wait3A_71] : memref<10000x128xf32, #tpu.memory_space<vmem_shared>> -> memref<10000x128xf32, #tpu.memory_space<vmem_shared>>
        tpu.wait_indirect_dma semaphore(%run_scoped3A : memref<!tpu.dma_semaphore, #tpu.memory_space<semaphore_mem>>) src(%arg15 : memref<16x128xf32, #tpu.memory_space<vmem>>) dst(%dma_wait3A_72 : memref<10000x128xf32, #tpu.memory_space<vmem_shared>>)
        tpu.yield
      }) : () -> ()
    } else {
    }
    %barrier3A_29 = arith.constant 0 : index
    tpu.barrier barrier_id(%barrier3A_29)
    %eq3A_30 = arith.constant 0 : i32
    %eq3A_31 = arith.cmpi eq, %arg0, %eq3A_30 : i32
    %convert_element_type3A_32 = arith.extui %eq3A_31 : i1 to i32
    %cond3A_33 = arith.constant 0 : i32
    %cond3A_34 = arith.cmpi ne, %convert_element_type3A_32, %cond3A_33 : i32
    scf.if %cond3A_34 {
      %mul3A_40 = arith.constant 632 : i32
      %mul3A_41 = arith.muli %arg1, %mul3A_40 : i32
      %lt3A_42 = arith.constant 15 : i32
      %lt3A_43 = arith.cmpi slt, %arg1, %lt3A_42 : i32
      %convert_element_type3A_44 = arith.extui %lt3A_43 : i1 to i32
      %cond3A_45 = arith.constant 0 : i32
      %cond3A_46 = arith.cmpi ne, %convert_element_type3A_44, %cond3A_45 : i32
      scf.if %cond3A_46 {
        "tpu.region"() ({
          %run_scoped3A = tpu.sem_alloc : memref<!tpu.dma_semaphore, #tpu.memory_space<semaphore_mem>>
          %dma_start3A = arith.constant 0 : i32
          %dma_start3A_52 = tpu.memref_slice %arg7[%mul3A_41, %dma_start3A] : memref<10000x128xf32, #tpu.memory_space<hbm>> -> memref<632x128xf32, #tpu.memory_space<hbm>>
          %dma_start3A_53 = arith.constant 0 : i32
          %dma_start3A_54 = tpu.memref_slice %arg17[%mul3A_41, %dma_start3A_53] : memref<10000x128xf32, #tpu.memory_space<vmem_shared>> -> memref<632x128xf32, #tpu.memory_space<vmem_shared>>
          tpu.enqueue_dma source(%dma_start3A_54 : memref<632x128xf32, #tpu.memory_space<vmem_shared>>) target(%dma_start3A_52 : memref<632x128xf32, #tpu.memory_space<hbm>>) target_semaphore(%run_scoped3A : memref<!tpu.dma_semaphore, #tpu.memory_space<semaphore_mem>>)
          %dma_wait3A = arith.constant 0 : i32
          %dma_wait3A_55 = tpu.memref_slice %arg7[%mul3A_41, %dma_wait3A] : memref<10000x128xf32, #tpu.memory_space<hbm>> -> memref<632x128xf32, #tpu.memory_space<hbm>>
          %dma_wait3A_56 = arith.constant 0 : i32
          %dma_wait3A_57 = tpu.memref_slice %arg17[%mul3A_41, %dma_wait3A_56] : memref<10000x128xf32, #tpu.memory_space<vmem_shared>> -> memref<632x128xf32, #tpu.memory_space<vmem_shared>>
          tpu.wait_dma2 semaphore(%run_scoped3A : memref<!tpu.dma_semaphore, #tpu.memory_space<semaphore_mem>>) src(%dma_wait3A_57 : memref<632x128xf32, #tpu.memory_space<vmem_shared>>) dst(%dma_wait3A_55 : memref<632x128xf32, #tpu.memory_space<hbm>>)
          tpu.yield
        }) : () -> ()
      } else {
      }
      %eq3A_47 = arith.constant 15 : i32
      %eq3A_48 = arith.cmpi eq, %arg1, %eq3A_47 : i32
      %convert_element_type3A_49 = arith.extui %eq3A_48 : i1 to i32
      %cond3A_50 = arith.constant 0 : i32
      %cond3A_51 = arith.cmpi ne, %convert_element_type3A_49, %cond3A_50 : i32
      scf.if %cond3A_51 {
        "tpu.region"() ({
          %run_scoped3A = tpu.sem_alloc : memref<!tpu.dma_semaphore, #tpu.memory_space<semaphore_mem>>
          %dma_start3A = arith.constant 0 : i32
          %dma_start3A_52 = tpu.memref_slice %arg7[%mul3A_41, %dma_start3A] : memref<10000x128xf32, #tpu.memory_space<hbm>> -> memref<520x128xf32, #tpu.memory_space<hbm>>
          %dma_start3A_53 = arith.constant 0 : i32
          %dma_start3A_54 = tpu.memref_slice %arg17[%mul3A_41, %dma_start3A_53] : memref<10000x128xf32, #tpu.memory_space<vmem_shared>> -> memref<520x128xf32, #tpu.memory_space<vmem_shared>>
          tpu.enqueue_dma source(%dma_start3A_54 : memref<520x128xf32, #tpu.memory_space<vmem_shared>>) target(%dma_start3A_52 : memref<520x128xf32, #tpu.memory_space<hbm>>) target_semaphore(%run_scoped3A : memref<!tpu.dma_semaphore, #tpu.memory_space<semaphore_mem>>)
          %dma_wait3A = arith.constant 0 : i32
          %dma_wait3A_55 = tpu.memref_slice %arg7[%mul3A_41, %dma_wait3A] : memref<10000x128xf32, #tpu.memory_space<hbm>> -> memref<520x128xf32, #tpu.memory_space<hbm>>
          %dma_wait3A_56 = arith.constant 0 : i32
          %dma_wait3A_57 = tpu.memref_slice %arg17[%mul3A_41, %dma_wait3A_56] : memref<10000x128xf32, #tpu.memory_space<vmem_shared>> -> memref<520x128xf32, #tpu.memory_space<vmem_shared>>
          tpu.wait_dma2 semaphore(%run_scoped3A : memref<!tpu.dma_semaphore, #tpu.memory_space<semaphore_mem>>) src(%dma_wait3A_57 : memref<520x128xf32, #tpu.memory_space<vmem_shared>>) dst(%dma_wait3A_55 : memref<520x128xf32, #tpu.memory_space<hbm>>)
          tpu.yield
        }) : () -> ()
      } else {
      }
    } else {
    }
    %eq3A_35 = arith.constant 1 : i32
    %eq3A_36 = arith.cmpi eq, %arg0, %eq3A_35 : i32
    %convert_element_type3A_37 = arith.extui %eq3A_36 : i1 to i32
    %cond3A_38 = arith.constant 0 : i32
    %cond3A_39 = arith.cmpi ne, %convert_element_type3A_37, %cond3A_38 : i32
    scf.if %cond3A_39 {
      %mul3A_40 = arith.constant 632 : i32
      %mul3A_41 = arith.muli %arg1, %mul3A_40 : i32
      %lt3A_42 = arith.constant 15 : i32
      %lt3A_43 = arith.cmpi slt, %arg1, %lt3A_42 : i32
      %convert_element_type3A_44 = arith.extui %lt3A_43 : i1 to i32
      %cond3A_45 = arith.constant 0 : i32
      %cond3A_46 = arith.cmpi ne, %convert_element_type3A_44, %cond3A_45 : i32
      scf.if %cond3A_46 {
        "tpu.region"() ({
          %run_scoped3A = tpu.sem_alloc : memref<!tpu.dma_semaphore, #tpu.memory_space<semaphore_mem>>
          %dma_start3A = arith.constant 0 : i32
          %dma_start3A_52 = tpu.memref_slice %arg8[%mul3A_41, %dma_start3A] : memref<10000x128xf32, #tpu.memory_space<hbm>> -> memref<632x128xf32, #tpu.memory_space<hbm>>
          %dma_start3A_53 = arith.constant 0 : i32
          %dma_start3A_54 = tpu.memref_slice %arg17[%mul3A_41, %dma_start3A_53] : memref<10000x128xf32, #tpu.memory_space<vmem_shared>> -> memref<632x128xf32, #tpu.memory_space<vmem_shared>>
          tpu.enqueue_dma source(%dma_start3A_54 : memref<632x128xf32, #tpu.memory_space<vmem_shared>>) target(%dma_start3A_52 : memref<632x128xf32, #tpu.memory_space<hbm>>) target_semaphore(%run_scoped3A : memref<!tpu.dma_semaphore, #tpu.memory_space<semaphore_mem>>)
          %dma_wait3A = arith.constant 0 : i32
          %dma_wait3A_55 = tpu.memref_slice %arg8[%mul3A_41, %dma_wait3A] : memref<10000x128xf32, #tpu.memory_space<hbm>> -> memref<632x128xf32, #tpu.memory_space<hbm>>
          %dma_wait3A_56 = arith.constant 0 : i32
          %dma_wait3A_57 = tpu.memref_slice %arg17[%mul3A_41, %dma_wait3A_56] : memref<10000x128xf32, #tpu.memory_space<vmem_shared>> -> memref<632x128xf32, #tpu.memory_space<vmem_shared>>
          tpu.wait_dma2 semaphore(%run_scoped3A : memref<!tpu.dma_semaphore, #tpu.memory_space<semaphore_mem>>) src(%dma_wait3A_57 : memref<632x128xf32, #tpu.memory_space<vmem_shared>>) dst(%dma_wait3A_55 : memref<632x128xf32, #tpu.memory_space<hbm>>)
          tpu.yield
        }) : () -> ()
      } else {
      }
      %eq3A_47 = arith.constant 15 : i32
      %eq3A_48 = arith.cmpi eq, %arg1, %eq3A_47 : i32
      %convert_element_type3A_49 = arith.extui %eq3A_48 : i1 to i32
      %cond3A_50 = arith.constant 0 : i32
      %cond3A_51 = arith.cmpi ne, %convert_element_type3A_49, %cond3A_50 : i32
      scf.if %cond3A_51 {
        "tpu.region"() ({
          %run_scoped3A = tpu.sem_alloc : memref<!tpu.dma_semaphore, #tpu.memory_space<semaphore_mem>>
          %dma_start3A = arith.constant 0 : i32
          %dma_start3A_52 = tpu.memref_slice %arg8[%mul3A_41, %dma_start3A] : memref<10000x128xf32, #tpu.memory_space<hbm>> -> memref<520x128xf32, #tpu.memory_space<hbm>>
          %dma_start3A_53 = arith.constant 0 : i32
          %dma_start3A_54 = tpu.memref_slice %arg17[%mul3A_41, %dma_start3A_53] : memref<10000x128xf32, #tpu.memory_space<vmem_shared>> -> memref<520x128xf32, #tpu.memory_space<vmem_shared>>
          tpu.enqueue_dma source(%dma_start3A_54 : memref<520x128xf32, #tpu.memory_space<vmem_shared>>) target(%dma_start3A_52 : memref<520x128xf32, #tpu.memory_space<hbm>>) target_semaphore(%run_scoped3A : memref<!tpu.dma_semaphore, #tpu.memory_space<semaphore_mem>>)
          %dma_wait3A = arith.constant 0 : i32
          %dma_wait3A_55 = tpu.memref_slice %arg8[%mul3A_41, %dma_wait3A] : memref<10000x128xf32, #tpu.memory_space<hbm>> -> memref<520x128xf32, #tpu.memory_space<hbm>>
          %dma_wait3A_56 = arith.constant 0 : i32
          %dma_wait3A_57 = tpu.memref_slice %arg17[%mul3A_41, %dma_wait3A_56] : memref<10000x128xf32, #tpu.memory_space<vmem_shared>> -> memref<520x128xf32, #tpu.memory_space<vmem_shared>>
          tpu.wait_dma2 semaphore(%run_scoped3A : memref<!tpu.dma_semaphore, #tpu.memory_space<semaphore_mem>>) src(%dma_wait3A_57 : memref<520x128xf32, #tpu.memory_space<vmem_shared>>) dst(%dma_wait3A_55 : memref<520x128xf32, #tpu.memory_space<hbm>>)
          tpu.yield
        }) : () -> ()
      } else {
      }
    } else {
    }
    return
  }
}

#map = affine_map<(d0, d1) -> (0, 0)>
#map1 = affine_map<(d0, d1) -> (0)>
module attributes {stable_mosaic.version = 14 : i64} {
  func.func @agg(%arg0: i32, %arg1: i32, %arg2: memref<10000x128xf32, #tpu.memory_space<hbm>>, %arg3: memref<160000xi32, #tpu.memory_space<hbm>>, %arg4: memref<160000xi32, #tpu.memory_space<hbm>>, %arg5: memref<10000x128xf32, #tpu.memory_space<hbm>>, %arg6: memref<10000x128xf32, #tpu.memory_space<hbm>>, %arg7: memref<10000x128xf32, #tpu.memory_space<hbm>>, %arg8: memref<5000xi32, #tpu.memory_space<vmem>>, %arg9: memref<5000xi32, #tpu.memory_space<vmem>>, %arg10: memref<128x128xf32, #tpu.memory_space<vmem>>, %arg11: memref<!tpu.dma_semaphore, #tpu.memory_space<semaphore_mem>>, %arg12: memref<128x128xf32, #tpu.memory_space<vmem>>, %arg13: memref<!tpu.dma_semaphore, #tpu.memory_space<semaphore_mem>>, %arg14: memref<8x128xf32, #tpu.memory_space<vmem>>, %arg15: memref<!tpu.dma_semaphore, #tpu.memory_space<semaphore_mem>>, %arg16: memref<10000x128xf32, #tpu.memory_space<vmem_shared>>) attributes {dimension_semantics = [#tpu.dimension_semantics<core_parallel>, #tpu.dimension_semantics<subcore_parallel>], iteration_bounds = array<i64: 2, 16>, scalar_prefetch = 0 : i64, scratch_operands = 9 : i64, tpu.core_type = #tpu.core_type<sc_vector_subcore>, window_params = [{transform_indices = #map}, {transform_indices = #map1}, {transform_indices = #map1}, {transform_indices = #map}, {transform_indices = #map}, {transform_indices = #map}]} {
    %mul3A = arith.constant 80000 : i32
    %mul3A_0 = arith.muli %arg0, %mul3A : i32
    %mul3A_1 = arith.constant 5000 : i32
    %mul3A_2 = arith.muli %arg1, %mul3A_1 : i32
    %add3A = arith.addi %mul3A_0, %mul3A_2 : i32
    "tpu.region"() ({
      %run_scoped3A = tpu.sem_alloc : memref<!tpu.dma_semaphore, #tpu.memory_space<semaphore_mem>>
      %dma_start3A_45 = tpu.memref_slice %arg3[%add3A] : memref<160000xi32, #tpu.memory_space<hbm>> -> memref<5000xi32, #tpu.memory_space<hbm>>
      %dma_start3A_46 = tpu.memref_slice %arg3[%add3A] : memref<160000xi32, #tpu.memory_space<hbm>> -> memref<5000xi32, #tpu.memory_space<hbm>>
      tpu.enqueue_dma source(%dma_start3A_46 : memref<5000xi32, #tpu.memory_space<hbm>>) target(%arg8 : memref<5000xi32, #tpu.memory_space<vmem>>) target_semaphore(%run_scoped3A : memref<!tpu.dma_semaphore, #tpu.memory_space<semaphore_mem>>)
      %dma_wait3A_47 = tpu.memref_slice %arg3[%add3A] : memref<160000xi32, #tpu.memory_space<hbm>> -> memref<5000xi32, #tpu.memory_space<hbm>>
      %dma_wait3A_48 = tpu.memref_slice %arg3[%add3A] : memref<160000xi32, #tpu.memory_space<hbm>> -> memref<5000xi32, #tpu.memory_space<hbm>>
      tpu.wait_dma2 semaphore(%run_scoped3A : memref<!tpu.dma_semaphore, #tpu.memory_space<semaphore_mem>>) src(%dma_wait3A_48 : memref<5000xi32, #tpu.memory_space<hbm>>) dst(%arg8 : memref<5000xi32, #tpu.memory_space<vmem>>)
      tpu.yield
    }) : () -> ()
    "tpu.region"() ({
      %run_scoped3A = tpu.sem_alloc : memref<!tpu.dma_semaphore, #tpu.memory_space<semaphore_mem>>
      %dma_start3A_45 = tpu.memref_slice %arg4[%add3A] : memref<160000xi32, #tpu.memory_space<hbm>> -> memref<5000xi32, #tpu.memory_space<hbm>>
      %dma_start3A_46 = tpu.memref_slice %arg4[%add3A] : memref<160000xi32, #tpu.memory_space<hbm>> -> memref<5000xi32, #tpu.memory_space<hbm>>
      tpu.enqueue_dma source(%dma_start3A_46 : memref<5000xi32, #tpu.memory_space<hbm>>) target(%arg9 : memref<5000xi32, #tpu.memory_space<vmem>>) target_semaphore(%run_scoped3A : memref<!tpu.dma_semaphore, #tpu.memory_space<semaphore_mem>>)
      %dma_wait3A_47 = tpu.memref_slice %arg4[%add3A] : memref<160000xi32, #tpu.memory_space<hbm>> -> memref<5000xi32, #tpu.memory_space<hbm>>
      %dma_wait3A_48 = tpu.memref_slice %arg4[%add3A] : memref<160000xi32, #tpu.memory_space<hbm>> -> memref<5000xi32, #tpu.memory_space<hbm>>
      tpu.wait_dma2 semaphore(%run_scoped3A : memref<!tpu.dma_semaphore, #tpu.memory_space<semaphore_mem>>) src(%dma_wait3A_48 : memref<5000xi32, #tpu.memory_space<hbm>>) dst(%arg9 : memref<5000xi32, #tpu.memory_space<vmem>>)
      tpu.yield
    }) : () -> ()
    %dma_start3A = arith.constant 4992 : i32
    %dma_start3A_3 = tpu.memref_slice %arg8[%dma_start3A] : memref<5000xi32, #tpu.memory_space<vmem>> -> memref<8xi32, #tpu.memory_space<vmem>>
    %dma_start3A_4 = arith.constant 0 : i32
    %dma_start3A_5 = arith.constant 0 : i32
    %dma_start3A_6 = tpu.memref_slice %arg2[%dma_start3A_4, %dma_start3A_5] : memref<10000x128xf32, #tpu.memory_space<hbm>> -> memref<10000x128xf32, #tpu.memory_space<hbm>>
    tpu.enqueue_indirect_dma source(%dma_start3A_6 : memref<10000x128xf32, #tpu.memory_space<hbm>>) target(%arg14 : memref<8x128xf32, #tpu.memory_space<vmem>>) offsets(%dma_start3A_3 : memref<8xi32, #tpu.memory_space<vmem>>) semaphore(%arg15 : memref<!tpu.dma_semaphore, #tpu.memory_space<semaphore_mem>>)
    %dma_start3A_7 = arith.constant 0 : i32
    %dma_start3A_8 = tpu.memref_slice %arg8[%dma_start3A_7] : memref<5000xi32, #tpu.memory_space<vmem>> -> memref<128xi32, #tpu.memory_space<vmem>>
    %dma_start3A_9 = arith.constant 0 : i32
    %dma_start3A_10 = arith.constant 0 : i32
    %dma_start3A_11 = tpu.memref_slice %arg2[%dma_start3A_9, %dma_start3A_10] : memref<10000x128xf32, #tpu.memory_space<hbm>> -> memref<10000x128xf32, #tpu.memory_space<hbm>>
    tpu.enqueue_indirect_dma source(%dma_start3A_11 : memref<10000x128xf32, #tpu.memory_space<hbm>>) target(%arg10 : memref<128x128xf32, #tpu.memory_space<vmem>>) offsets(%dma_start3A_8 : memref<128xi32, #tpu.memory_space<vmem>>) semaphore(%arg11 : memref<!tpu.dma_semaphore, #tpu.memory_space<semaphore_mem>>)
    %mul3A_12 = arith.constant 632 : i32
    %mul3A_13 = arith.muli %arg1, %mul3A_12 : i32
    %lt3A = arith.constant 15 : i32
    %lt3A_14 = arith.cmpi slt, %arg1, %lt3A : i32
    %convert_element_type3A = arith.extui %lt3A_14 : i1 to i32
    %cond3A = arith.constant 0 : i32
    %cond3A_15 = arith.cmpi ne, %convert_element_type3A, %cond3A : i32
    scf.if %cond3A_15 {
      "tpu.region"() ({
        %run_scoped3A = tpu.sem_alloc : memref<!tpu.dma_semaphore, #tpu.memory_space<semaphore_mem>>
        %dma_start3A_45 = arith.constant 0 : i32
        %dma_start3A_46 = tpu.memref_slice %arg16[%mul3A_13, %dma_start3A_45] : memref<10000x128xf32, #tpu.memory_space<vmem_shared>> -> memref<632x128xf32, #tpu.memory_space<vmem_shared>>
        %dma_start3A_47 = arith.constant 0 : i32
        %dma_start3A_48 = tpu.memref_slice %arg5[%mul3A_13, %dma_start3A_47] : memref<10000x128xf32, #tpu.memory_space<hbm>> -> memref<632x128xf32, #tpu.memory_space<hbm>>
        tpu.enqueue_dma source(%dma_start3A_48 : memref<632x128xf32, #tpu.memory_space<hbm>>) target(%dma_start3A_46 : memref<632x128xf32, #tpu.memory_space<vmem_shared>>) target_semaphore(%run_scoped3A : memref<!tpu.dma_semaphore, #tpu.memory_space<semaphore_mem>>)
        %dma_wait3A_49 = arith.constant 0 : i32
        %dma_wait3A_50 = tpu.memref_slice %arg16[%mul3A_13, %dma_wait3A_49] : memref<10000x128xf32, #tpu.memory_space<vmem_shared>> -> memref<632x128xf32, #tpu.memory_space<vmem_shared>>
        %dma_wait3A_51 = arith.constant 0 : i32
        %dma_wait3A_52 = tpu.memref_slice %arg5[%mul3A_13, %dma_wait3A_51] : memref<10000x128xf32, #tpu.memory_space<hbm>> -> memref<632x128xf32, #tpu.memory_space<hbm>>
        tpu.wait_dma2 semaphore(%run_scoped3A : memref<!tpu.dma_semaphore, #tpu.memory_space<semaphore_mem>>) src(%dma_wait3A_52 : memref<632x128xf32, #tpu.memory_space<hbm>>) dst(%dma_wait3A_50 : memref<632x128xf32, #tpu.memory_space<vmem_shared>>)
        tpu.yield
      }) : () -> ()
    } else {
    }
    %eq3A = arith.constant 15 : i32
    %eq3A_16 = arith.cmpi eq, %arg1, %eq3A : i32
    %convert_element_type3A_17 = arith.extui %eq3A_16 : i1 to i32
    %cond3A_18 = arith.constant 0 : i32
    %cond3A_19 = arith.cmpi ne, %convert_element_type3A_17, %cond3A_18 : i32
    scf.if %cond3A_19 {
      "tpu.region"() ({
        %run_scoped3A = tpu.sem_alloc : memref<!tpu.dma_semaphore, #tpu.memory_space<semaphore_mem>>
        %dma_start3A_45 = arith.constant 0 : i32
        %dma_start3A_46 = tpu.memref_slice %arg16[%mul3A_13, %dma_start3A_45] : memref<10000x128xf32, #tpu.memory_space<vmem_shared>> -> memref<520x128xf32, #tpu.memory_space<vmem_shared>>
        %dma_start3A_47 = arith.constant 0 : i32
        %dma_start3A_48 = tpu.memref_slice %arg5[%mul3A_13, %dma_start3A_47] : memref<10000x128xf32, #tpu.memory_space<hbm>> -> memref<520x128xf32, #tpu.memory_space<hbm>>
        tpu.enqueue_dma source(%dma_start3A_48 : memref<520x128xf32, #tpu.memory_space<hbm>>) target(%dma_start3A_46 : memref<520x128xf32, #tpu.memory_space<vmem_shared>>) target_semaphore(%run_scoped3A : memref<!tpu.dma_semaphore, #tpu.memory_space<semaphore_mem>>)
        %dma_wait3A_49 = arith.constant 0 : i32
        %dma_wait3A_50 = tpu.memref_slice %arg16[%mul3A_13, %dma_wait3A_49] : memref<10000x128xf32, #tpu.memory_space<vmem_shared>> -> memref<520x128xf32, #tpu.memory_space<vmem_shared>>
        %dma_wait3A_51 = arith.constant 0 : i32
        %dma_wait3A_52 = tpu.memref_slice %arg5[%mul3A_13, %dma_wait3A_51] : memref<10000x128xf32, #tpu.memory_space<hbm>> -> memref<520x128xf32, #tpu.memory_space<hbm>>
        tpu.wait_dma2 semaphore(%run_scoped3A : memref<!tpu.dma_semaphore, #tpu.memory_space<semaphore_mem>>) src(%dma_wait3A_52 : memref<520x128xf32, #tpu.memory_space<hbm>>) dst(%dma_wait3A_50 : memref<520x128xf32, #tpu.memory_space<vmem_shared>>)
        tpu.yield
      }) : () -> ()
    } else {
    }
    %barrier3A = arith.constant 0 : index
    tpu.barrier barrier_id(%barrier3A)
    %scan3A = arith.constant 0 : i32
    %scan3A_20 = arith.constant 0 : i32
    %scan3A_21 = arith.constant 19 : i32
    %scan3A_22 = arith.addi %scan3A_20, %scan3A_21 : i32
    %scan3A_23 = arith.constant 1 : i32
    scf.for %scan3A_45 = %scan3A_20 to %scan3A_22 step %scan3A_23  : i32 {
      %mul3A_46 = arith.constant 2 : i32
      %mul3A_47 = arith.muli %mul3A_46, %scan3A_45 : i32
      %add3A_48 = arith.constant 1 : i32
      %add3A_49 = arith.addi %mul3A_47, %add3A_48 : i32
      %mul3A_50 = arith.constant 128 : i32
      %mul3A_51 = arith.muli %add3A_49, %mul3A_50 : i32
      %dma_start3A_52 = tpu.memref_slice %arg8[%mul3A_51] : memref<5000xi32, #tpu.memory_space<vmem>> -> memref<128xi32, #tpu.memory_space<vmem>>
      %dma_start3A_53 = arith.constant 0 : i32
      %dma_start3A_54 = arith.constant 0 : i32
      %dma_start3A_55 = tpu.memref_slice %arg2[%dma_start3A_53, %dma_start3A_54] : memref<10000x128xf32, #tpu.memory_space<hbm>> -> memref<10000x128xf32, #tpu.memory_space<hbm>>
      tpu.enqueue_indirect_dma source(%dma_start3A_55 : memref<10000x128xf32, #tpu.memory_space<hbm>>) target(%arg12 : memref<128x128xf32, #tpu.memory_space<vmem>>) offsets(%dma_start3A_52 : memref<128xi32, #tpu.memory_space<vmem>>) semaphore(%arg13 : memref<!tpu.dma_semaphore, #tpu.memory_space<semaphore_mem>>)
      %mul3A_56 = arith.constant 128 : i32
      %mul3A_57 = arith.muli %mul3A_47, %mul3A_56 : i32
      %dma_wait3A_58 = tpu.memref_slice %arg8[%mul3A_57] : memref<5000xi32, #tpu.memory_space<vmem>> -> memref<128xi32, #tpu.memory_space<vmem>>
      %dma_wait3A_59 = arith.constant 0 : i32
      %dma_wait3A_60 = arith.constant 0 : i32
      %dma_wait3A_61 = tpu.memref_slice %arg2[%dma_wait3A_59, %dma_wait3A_60] : memref<10000x128xf32, #tpu.memory_space<hbm>> -> memref<10000x128xf32, #tpu.memory_space<hbm>>
      tpu.wait_indirect_dma semaphore(%arg11 : memref<!tpu.dma_semaphore, #tpu.memory_space<semaphore_mem>>) src(%dma_wait3A_61 : memref<10000x128xf32, #tpu.memory_space<hbm>>) dst(%arg10 : memref<128x128xf32, #tpu.memory_space<vmem>>)
      %mul3A_62 = arith.constant 128 : i32
      %mul3A_63 = arith.muli %mul3A_47, %mul3A_62 : i32
      "tpu.region"() ({
        %run_scoped3A = tpu.sem_alloc : memref<!tpu.dma_semaphore, #tpu.memory_space<semaphore_mem>>
        %dma_start3A_84 = tpu.memref_slice %arg9[%mul3A_63] : memref<5000xi32, #tpu.memory_space<vmem>> -> memref<128xi32, #tpu.memory_space<vmem>>
        %dma_start3A_85 = arith.constant 0 : i32
        %dma_start3A_86 = arith.constant 0 : i32
        %dma_start3A_87 = tpu.memref_slice %arg16[%dma_start3A_85, %dma_start3A_86] : memref<10000x128xf32, #tpu.memory_space<vmem_shared>> -> memref<10000x128xf32, #tpu.memory_space<vmem_shared>>
        tpu.enqueue_indirect_dma source(%arg10 : memref<128x128xf32, #tpu.memory_space<vmem>>) target(%dma_start3A_87 : memref<10000x128xf32, #tpu.memory_space<vmem_shared>>) offsets(%dma_start3A_84 : memref<128xi32, #tpu.memory_space<vmem>>) semaphore(%run_scoped3A : memref<!tpu.dma_semaphore, #tpu.memory_space<semaphore_mem>>) {add = true}
        %dma_wait3A_88 = tpu.memref_slice %arg9[%mul3A_63] : memref<5000xi32, #tpu.memory_space<vmem>> -> memref<128xi32, #tpu.memory_space<vmem>>
        %dma_wait3A_89 = arith.constant 0 : i32
        %dma_wait3A_90 = arith.constant 0 : i32
        %dma_wait3A_91 = tpu.memref_slice %arg16[%dma_wait3A_89, %dma_wait3A_90] : memref<10000x128xf32, #tpu.memory_space<vmem_shared>> -> memref<10000x128xf32, #tpu.memory_space<vmem_shared>>
        tpu.wait_indirect_dma semaphore(%run_scoped3A : memref<!tpu.dma_semaphore, #tpu.memory_space<semaphore_mem>>) src(%arg10 : memref<128x128xf32, #tpu.memory_space<vmem>>) dst(%dma_wait3A_91 : memref<10000x128xf32, #tpu.memory_space<vmem_shared>>)
        tpu.yield
      }) : () -> ()
      %add3A_64 = arith.constant 2 : i32
      %add3A_65 = arith.addi %mul3A_47, %add3A_64 : i32
      %mul3A_66 = arith.constant 128 : i32
      %mul3A_67 = arith.muli %add3A_65, %mul3A_66 : i32
      %dma_start3A_68 = tpu.memref_slice %arg8[%mul3A_67] : memref<5000xi32, #tpu.memory_space<vmem>> -> memref<128xi32, #tpu.memory_space<vmem>>
      %dma_start3A_69 = arith.constant 0 : i32
      %dma_start3A_70 = arith.constant 0 : i32
      %dma_start3A_71 = tpu.memref_slice %arg2[%dma_start3A_69, %dma_start3A_70] : memref<10000x128xf32, #tpu.memory_space<hbm>> -> memref<10000x128xf32, #tpu.memory_space<hbm>>
      tpu.enqueue_indirect_dma source(%dma_start3A_71 : memref<10000x128xf32, #tpu.memory_space<hbm>>) target(%arg10 : memref<128x128xf32, #tpu.memory_space<vmem>>) offsets(%dma_start3A_68 : memref<128xi32, #tpu.memory_space<vmem>>) semaphore(%arg11 : memref<!tpu.dma_semaphore, #tpu.memory_space<semaphore_mem>>)
      %add3A_72 = arith.constant 1 : i32
      %add3A_73 = arith.addi %mul3A_47, %add3A_72 : i32
      %mul3A_74 = arith.constant 128 : i32
      %mul3A_75 = arith.muli %add3A_73, %mul3A_74 : i32
      %dma_wait3A_76 = tpu.memref_slice %arg8[%mul3A_75] : memref<5000xi32, #tpu.memory_space<vmem>> -> memref<128xi32, #tpu.memory_space<vmem>>
      %dma_wait3A_77 = arith.constant 0 : i32
      %dma_wait3A_78 = arith.constant 0 : i32
      %dma_wait3A_79 = tpu.memref_slice %arg2[%dma_wait3A_77, %dma_wait3A_78] : memref<10000x128xf32, #tpu.memory_space<hbm>> -> memref<10000x128xf32, #tpu.memory_space<hbm>>
      tpu.wait_indirect_dma semaphore(%arg13 : memref<!tpu.dma_semaphore, #tpu.memory_space<semaphore_mem>>) src(%dma_wait3A_79 : memref<10000x128xf32, #tpu.memory_space<hbm>>) dst(%arg12 : memref<128x128xf32, #tpu.memory_space<vmem>>)
      %add3A_80 = arith.constant 1 : i32
      %add3A_81 = arith.addi %mul3A_47, %add3A_80 : i32
      %mul3A_82 = arith.constant 128 : i32
      %mul3A_83 = arith.muli %add3A_81, %mul3A_82 : i32
      "tpu.region"() ({
        %run_scoped3A = tpu.sem_alloc : memref<!tpu.dma_semaphore, #tpu.memory_space<semaphore_mem>>
        %dma_start3A_84 = tpu.memref_slice %arg9[%mul3A_83] : memref<5000xi32, #tpu.memory_space<vmem>> -> memref<128xi32, #tpu.memory_space<vmem>>
        %dma_start3A_85 = arith.constant 0 : i32
        %dma_start3A_86 = arith.constant 0 : i32
        %dma_start3A_87 = tpu.memref_slice %arg16[%dma_start3A_85, %dma_start3A_86] : memref<10000x128xf32, #tpu.memory_space<vmem_shared>> -> memref<10000x128xf32, #tpu.memory_space<vmem_shared>>
        tpu.enqueue_indirect_dma source(%arg12 : memref<128x128xf32, #tpu.memory_space<vmem>>) target(%dma_start3A_87 : memref<10000x128xf32, #tpu.memory_space<vmem_shared>>) offsets(%dma_start3A_84 : memref<128xi32, #tpu.memory_space<vmem>>) semaphore(%run_scoped3A : memref<!tpu.dma_semaphore, #tpu.memory_space<semaphore_mem>>) {add = true}
        %dma_wait3A_88 = tpu.memref_slice %arg9[%mul3A_83] : memref<5000xi32, #tpu.memory_space<vmem>> -> memref<128xi32, #tpu.memory_space<vmem>>
        %dma_wait3A_89 = arith.constant 0 : i32
        %dma_wait3A_90 = arith.constant 0 : i32
        %dma_wait3A_91 = tpu.memref_slice %arg16[%dma_wait3A_89, %dma_wait3A_90] : memref<10000x128xf32, #tpu.memory_space<vmem_shared>> -> memref<10000x128xf32, #tpu.memory_space<vmem_shared>>
        tpu.wait_indirect_dma semaphore(%run_scoped3A : memref<!tpu.dma_semaphore, #tpu.memory_space<semaphore_mem>>) src(%arg12 : memref<128x128xf32, #tpu.memory_space<vmem>>) dst(%dma_wait3A_91 : memref<10000x128xf32, #tpu.memory_space<vmem_shared>>)
        tpu.yield
      }) : () -> ()
    }
    %scan3A_24 = arith.constant 19 : i32
    %dma_wait3A = arith.constant 4864 : i32
    %dma_wait3A_25 = tpu.memref_slice %arg8[%dma_wait3A] : memref<5000xi32, #tpu.memory_space<vmem>> -> memref<128xi32, #tpu.memory_space<vmem>>
    %dma_wait3A_26 = arith.constant 0 : i32
    %dma_wait3A_27 = arith.constant 0 : i32
    %dma_wait3A_28 = tpu.memref_slice %arg2[%dma_wait3A_26, %dma_wait3A_27] : memref<10000x128xf32, #tpu.memory_space<hbm>> -> memref<10000x128xf32, #tpu.memory_space<hbm>>
    tpu.wait_indirect_dma semaphore(%arg11 : memref<!tpu.dma_semaphore, #tpu.memory_space<semaphore_mem>>) src(%dma_wait3A_28 : memref<10000x128xf32, #tpu.memory_space<hbm>>) dst(%arg10 : memref<128x128xf32, #tpu.memory_space<vmem>>)
    "tpu.region"() ({
      %run_scoped3A = tpu.sem_alloc : memref<!tpu.dma_semaphore, #tpu.memory_space<semaphore_mem>>
      %dma_start3A_45 = arith.constant 4864 : i32
      %dma_start3A_46 = tpu.memref_slice %arg9[%dma_start3A_45] : memref<5000xi32, #tpu.memory_space<vmem>> -> memref<128xi32, #tpu.memory_space<vmem>>
      %dma_start3A_47 = arith.constant 0 : i32
      %dma_start3A_48 = arith.constant 0 : i32
      %dma_start3A_49 = tpu.memref_slice %arg16[%dma_start3A_47, %dma_start3A_48] : memref<10000x128xf32, #tpu.memory_space<vmem_shared>> -> memref<10000x128xf32, #tpu.memory_space<vmem_shared>>
      tpu.enqueue_indirect_dma source(%arg10 : memref<128x128xf32, #tpu.memory_space<vmem>>) target(%dma_start3A_49 : memref<10000x128xf32, #tpu.memory_space<vmem_shared>>) offsets(%dma_start3A_46 : memref<128xi32, #tpu.memory_space<vmem>>) semaphore(%run_scoped3A : memref<!tpu.dma_semaphore, #tpu.memory_space<semaphore_mem>>) {add = true}
      %dma_wait3A_50 = arith.constant 4864 : i32
      %dma_wait3A_51 = tpu.memref_slice %arg9[%dma_wait3A_50] : memref<5000xi32, #tpu.memory_space<vmem>> -> memref<128xi32, #tpu.memory_space<vmem>>
      %dma_wait3A_52 = arith.constant 0 : i32
      %dma_wait3A_53 = arith.constant 0 : i32
      %dma_wait3A_54 = tpu.memref_slice %arg16[%dma_wait3A_52, %dma_wait3A_53] : memref<10000x128xf32, #tpu.memory_space<vmem_shared>> -> memref<10000x128xf32, #tpu.memory_space<vmem_shared>>
      tpu.wait_indirect_dma semaphore(%run_scoped3A : memref<!tpu.dma_semaphore, #tpu.memory_space<semaphore_mem>>) src(%arg10 : memref<128x128xf32, #tpu.memory_space<vmem>>) dst(%dma_wait3A_54 : memref<10000x128xf32, #tpu.memory_space<vmem_shared>>)
      tpu.yield
    }) : () -> ()
    %dma_wait3A_29 = arith.constant 4992 : i32
    %dma_wait3A_30 = tpu.memref_slice %arg8[%dma_wait3A_29] : memref<5000xi32, #tpu.memory_space<vmem>> -> memref<8xi32, #tpu.memory_space<vmem>>
    %dma_wait3A_31 = arith.constant 0 : i32
    %dma_wait3A_32 = arith.constant 0 : i32
    %dma_wait3A_33 = tpu.memref_slice %arg2[%dma_wait3A_31, %dma_wait3A_32] : memref<10000x128xf32, #tpu.memory_space<hbm>> -> memref<10000x128xf32, #tpu.memory_space<hbm>>
    tpu.wait_indirect_dma semaphore(%arg15 : memref<!tpu.dma_semaphore, #tpu.memory_space<semaphore_mem>>) src(%dma_wait3A_33 : memref<10000x128xf32, #tpu.memory_space<hbm>>) dst(%arg14 : memref<8x128xf32, #tpu.memory_space<vmem>>)
    "tpu.region"() ({
      %run_scoped3A = tpu.sem_alloc : memref<!tpu.dma_semaphore, #tpu.memory_space<semaphore_mem>>
      %dma_start3A_45 = arith.constant 4992 : i32
      %dma_start3A_46 = tpu.memref_slice %arg9[%dma_start3A_45] : memref<5000xi32, #tpu.memory_space<vmem>> -> memref<8xi32, #tpu.memory_space<vmem>>
      %dma_start3A_47 = arith.constant 0 : i32
      %dma_start3A_48 = arith.constant 0 : i32
      %dma_start3A_49 = tpu.memref_slice %arg16[%dma_start3A_47, %dma_start3A_48] : memref<10000x128xf32, #tpu.memory_space<vmem_shared>> -> memref<10000x128xf32, #tpu.memory_space<vmem_shared>>
      tpu.enqueue_indirect_dma source(%arg14 : memref<8x128xf32, #tpu.memory_space<vmem>>) target(%dma_start3A_49 : memref<10000x128xf32, #tpu.memory_space<vmem_shared>>) offsets(%dma_start3A_46 : memref<8xi32, #tpu.memory_space<vmem>>) semaphore(%run_scoped3A : memref<!tpu.dma_semaphore, #tpu.memory_space<semaphore_mem>>) {add = true}
      %dma_wait3A_50 = arith.constant 4992 : i32
      %dma_wait3A_51 = tpu.memref_slice %arg9[%dma_wait3A_50] : memref<5000xi32, #tpu.memory_space<vmem>> -> memref<8xi32, #tpu.memory_space<vmem>>
      %dma_wait3A_52 = arith.constant 0 : i32
      %dma_wait3A_53 = arith.constant 0 : i32
      %dma_wait3A_54 = tpu.memref_slice %arg16[%dma_wait3A_52, %dma_wait3A_53] : memref<10000x128xf32, #tpu.memory_space<vmem_shared>> -> memref<10000x128xf32, #tpu.memory_space<vmem_shared>>
      tpu.wait_indirect_dma semaphore(%run_scoped3A : memref<!tpu.dma_semaphore, #tpu.memory_space<semaphore_mem>>) src(%arg14 : memref<8x128xf32, #tpu.memory_space<vmem>>) dst(%dma_wait3A_54 : memref<10000x128xf32, #tpu.memory_space<vmem_shared>>)
      tpu.yield
    }) : () -> ()
    %barrier3A_34 = arith.constant 0 : index
    tpu.barrier barrier_id(%barrier3A_34)
    %eq3A_35 = arith.constant 0 : i32
    %eq3A_36 = arith.cmpi eq, %arg0, %eq3A_35 : i32
    %convert_element_type3A_37 = arith.extui %eq3A_36 : i1 to i32
    %cond3A_38 = arith.constant 0 : i32
    %cond3A_39 = arith.cmpi ne, %convert_element_type3A_37, %cond3A_38 : i32
    scf.if %cond3A_39 {
      %mul3A_45 = arith.constant 632 : i32
      %mul3A_46 = arith.muli %arg1, %mul3A_45 : i32
      %lt3A_47 = arith.constant 15 : i32
      %lt3A_48 = arith.cmpi slt, %arg1, %lt3A_47 : i32
      %convert_element_type3A_49 = arith.extui %lt3A_48 : i1 to i32
      %cond3A_50 = arith.constant 0 : i32
      %cond3A_51 = arith.cmpi ne, %convert_element_type3A_49, %cond3A_50 : i32
      scf.if %cond3A_51 {
        "tpu.region"() ({
          %run_scoped3A = tpu.sem_alloc : memref<!tpu.dma_semaphore, #tpu.memory_space<semaphore_mem>>
          %dma_start3A_57 = arith.constant 0 : i32
          %dma_start3A_58 = tpu.memref_slice %arg6[%mul3A_46, %dma_start3A_57] : memref<10000x128xf32, #tpu.memory_space<hbm>> -> memref<632x128xf32, #tpu.memory_space<hbm>>
          %dma_start3A_59 = arith.constant 0 : i32
          %dma_start3A_60 = tpu.memref_slice %arg16[%mul3A_46, %dma_start3A_59] : memref<10000x128xf32, #tpu.memory_space<vmem_shared>> -> memref<632x128xf32, #tpu.memory_space<vmem_shared>>
          tpu.enqueue_dma source(%dma_start3A_60 : memref<632x128xf32, #tpu.memory_space<vmem_shared>>) target(%dma_start3A_58 : memref<632x128xf32, #tpu.memory_space<hbm>>) target_semaphore(%run_scoped3A : memref<!tpu.dma_semaphore, #tpu.memory_space<semaphore_mem>>)
          %dma_wait3A_61 = arith.constant 0 : i32
          %dma_wait3A_62 = tpu.memref_slice %arg6[%mul3A_46, %dma_wait3A_61] : memref<10000x128xf32, #tpu.memory_space<hbm>> -> memref<632x128xf32, #tpu.memory_space<hbm>>
          %dma_wait3A_63 = arith.constant 0 : i32
          %dma_wait3A_64 = tpu.memref_slice %arg16[%mul3A_46, %dma_wait3A_63] : memref<10000x128xf32, #tpu.memory_space<vmem_shared>> -> memref<632x128xf32, #tpu.memory_space<vmem_shared>>
          tpu.wait_dma2 semaphore(%run_scoped3A : memref<!tpu.dma_semaphore, #tpu.memory_space<semaphore_mem>>) src(%dma_wait3A_64 : memref<632x128xf32, #tpu.memory_space<vmem_shared>>) dst(%dma_wait3A_62 : memref<632x128xf32, #tpu.memory_space<hbm>>)
          tpu.yield
        }) : () -> ()
      } else {
      }
      %eq3A_52 = arith.constant 15 : i32
      %eq3A_53 = arith.cmpi eq, %arg1, %eq3A_52 : i32
      %convert_element_type3A_54 = arith.extui %eq3A_53 : i1 to i32
      %cond3A_55 = arith.constant 0 : i32
      %cond3A_56 = arith.cmpi ne, %convert_element_type3A_54, %cond3A_55 : i32
      scf.if %cond3A_56 {
        "tpu.region"() ({
          %run_scoped3A = tpu.sem_alloc : memref<!tpu.dma_semaphore, #tpu.memory_space<semaphore_mem>>
          %dma_start3A_57 = arith.constant 0 : i32
          %dma_start3A_58 = tpu.memref_slice %arg6[%mul3A_46, %dma_start3A_57] : memref<10000x128xf32, #tpu.memory_space<hbm>> -> memref<520x128xf32, #tpu.memory_space<hbm>>
          %dma_start3A_59 = arith.constant 0 : i32
          %dma_start3A_60 = tpu.memref_slice %arg16[%mul3A_46, %dma_start3A_59] : memref<10000x128xf32, #tpu.memory_space<vmem_shared>> -> memref<520x128xf32, #tpu.memory_space<vmem_shared>>
          tpu.enqueue_dma source(%dma_start3A_60 : memref<520x128xf32, #tpu.memory_space<vmem_shared>>) target(%dma_start3A_58 : memref<520x128xf32, #tpu.memory_space<hbm>>) target_semaphore(%run_scoped3A : memref<!tpu.dma_semaphore, #tpu.memory_space<semaphore_mem>>)
          %dma_wait3A_61 = arith.constant 0 : i32
          %dma_wait3A_62 = tpu.memref_slice %arg6[%mul3A_46, %dma_wait3A_61] : memref<10000x128xf32, #tpu.memory_space<hbm>> -> memref<520x128xf32, #tpu.memory_space<hbm>>
          %dma_wait3A_63 = arith.constant 0 : i32
          %dma_wait3A_64 = tpu.memref_slice %arg16[%mul3A_46, %dma_wait3A_63] : memref<10000x128xf32, #tpu.memory_space<vmem_shared>> -> memref<520x128xf32, #tpu.memory_space<vmem_shared>>
          tpu.wait_dma2 semaphore(%run_scoped3A : memref<!tpu.dma_semaphore, #tpu.memory_space<semaphore_mem>>) src(%dma_wait3A_64 : memref<520x128xf32, #tpu.memory_space<vmem_shared>>) dst(%dma_wait3A_62 : memref<520x128xf32, #tpu.memory_space<hbm>>)
          tpu.yield
        }) : () -> ()
      } else {
      }
    } else {
    }
    %eq3A_40 = arith.constant 1 : i32
    %eq3A_41 = arith.cmpi eq, %arg0, %eq3A_40 : i32
    %convert_element_type3A_42 = arith.extui %eq3A_41 : i1 to i32
    %cond3A_43 = arith.constant 0 : i32
    %cond3A_44 = arith.cmpi ne, %convert_element_type3A_42, %cond3A_43 : i32
    scf.if %cond3A_44 {
      %mul3A_45 = arith.constant 632 : i32
      %mul3A_46 = arith.muli %arg1, %mul3A_45 : i32
      %lt3A_47 = arith.constant 15 : i32
      %lt3A_48 = arith.cmpi slt, %arg1, %lt3A_47 : i32
      %convert_element_type3A_49 = arith.extui %lt3A_48 : i1 to i32
      %cond3A_50 = arith.constant 0 : i32
      %cond3A_51 = arith.cmpi ne, %convert_element_type3A_49, %cond3A_50 : i32
      scf.if %cond3A_51 {
        "tpu.region"() ({
          %run_scoped3A = tpu.sem_alloc : memref<!tpu.dma_semaphore, #tpu.memory_space<semaphore_mem>>
          %dma_start3A_57 = arith.constant 0 : i32
          %dma_start3A_58 = tpu.memref_slice %arg7[%mul3A_46, %dma_start3A_57] : memref<10000x128xf32, #tpu.memory_space<hbm>> -> memref<632x128xf32, #tpu.memory_space<hbm>>
          %dma_start3A_59 = arith.constant 0 : i32
          %dma_start3A_60 = tpu.memref_slice %arg16[%mul3A_46, %dma_start3A_59] : memref<10000x128xf32, #tpu.memory_space<vmem_shared>> -> memref<632x128xf32, #tpu.memory_space<vmem_shared>>
          tpu.enqueue_dma source(%dma_start3A_60 : memref<632x128xf32, #tpu.memory_space<vmem_shared>>) target(%dma_start3A_58 : memref<632x128xf32, #tpu.memory_space<hbm>>) target_semaphore(%run_scoped3A : memref<!tpu.dma_semaphore, #tpu.memory_space<semaphore_mem>>)
          %dma_wait3A_61 = arith.constant 0 : i32
          %dma_wait3A_62 = tpu.memref_slice %arg7[%mul3A_46, %dma_wait3A_61] : memref<10000x128xf32, #tpu.memory_space<hbm>> -> memref<632x128xf32, #tpu.memory_space<hbm>>
          %dma_wait3A_63 = arith.constant 0 : i32
          %dma_wait3A_64 = tpu.memref_slice %arg16[%mul3A_46, %dma_wait3A_63] : memref<10000x128xf32, #tpu.memory_space<vmem_shared>> -> memref<632x128xf32, #tpu.memory_space<vmem_shared>>
          tpu.wait_dma2 semaphore(%run_scoped3A : memref<!tpu.dma_semaphore, #tpu.memory_space<semaphore_mem>>) src(%dma_wait3A_64 : memref<632x128xf32, #tpu.memory_space<vmem_shared>>) dst(%dma_wait3A_62 : memref<632x128xf32, #tpu.memory_space<hbm>>)
          tpu.yield
        }) : () -> ()
      } else {
      }
      %eq3A_52 = arith.constant 15 : i32
      %eq3A_53 = arith.cmpi eq, %arg1, %eq3A_52 : i32
      %convert_element_type3A_54 = arith.extui %eq3A_53 : i1 to i32
      %cond3A_55 = arith.constant 0 : i32
      %cond3A_56 = arith.cmpi ne, %convert_element_type3A_54, %cond3A_55 : i32
      scf.if %cond3A_56 {
        "tpu.region"() ({
          %run_scoped3A = tpu.sem_alloc : memref<!tpu.dma_semaphore, #tpu.memory_space<semaphore_mem>>
          %dma_start3A_57 = arith.constant 0 : i32
          %dma_start3A_58 = tpu.memref_slice %arg7[%mul3A_46, %dma_start3A_57] : memref<10000x128xf32, #tpu.memory_space<hbm>> -> memref<520x128xf32, #tpu.memory_space<hbm>>
          %dma_start3A_59 = arith.constant 0 : i32
          %dma_start3A_60 = tpu.memref_slice %arg16[%mul3A_46, %dma_start3A_59] : memref<10000x128xf32, #tpu.memory_space<vmem_shared>> -> memref<520x128xf32, #tpu.memory_space<vmem_shared>>
          tpu.enqueue_dma source(%dma_start3A_60 : memref<520x128xf32, #tpu.memory_space<vmem_shared>>) target(%dma_start3A_58 : memref<520x128xf32, #tpu.memory_space<hbm>>) target_semaphore(%run_scoped3A : memref<!tpu.dma_semaphore, #tpu.memory_space<semaphore_mem>>)
          %dma_wait3A_61 = arith.constant 0 : i32
          %dma_wait3A_62 = tpu.memref_slice %arg7[%mul3A_46, %dma_wait3A_61] : memref<10000x128xf32, #tpu.memory_space<hbm>> -> memref<520x128xf32, #tpu.memory_space<hbm>>
          %dma_wait3A_63 = arith.constant 0 : i32
          %dma_wait3A_64 = tpu.memref_slice %arg16[%mul3A_46, %dma_wait3A_63] : memref<10000x128xf32, #tpu.memory_space<vmem_shared>> -> memref<520x128xf32, #tpu.memory_space<vmem_shared>>
          tpu.wait_dma2 semaphore(%run_scoped3A : memref<!tpu.dma_semaphore, #tpu.memory_space<semaphore_mem>>) src(%dma_wait3A_64 : memref<520x128xf32, #tpu.memory_space<vmem_shared>>) dst(%dma_wait3A_62 : memref<520x128xf32, #tpu.memory_space<hbm>>)
          tpu.yield
        }) : () -> ()
      } else {
      }
    } else {
    }
    return
  }
}

module attributes {stable_mosaic.version = 14 : i64} {
  func.func @_mm_body(%arg0: i32, %arg1: memref<1000x128xf32, #tpu.memory_space<vmem>>, %arg2: memref<1000x128xf32, #tpu.memory_space<vmem>>, %arg3: memref<256x256xf32, #tpu.memory_space<vmem>>, %arg4: memref<256x128xf32, #tpu.memory_space<vmem>>, %arg5: memref<1000x128xf32, #tpu.memory_space<vmem>>) attributes {dimension_semantics = [#tpu.dimension_semantics<arbitrary>], iteration_bounds = array<i64: 10>, scalar_prefetch = 0 : i64, scratch_operands = 0 : i64, tpu.core_type = #tpu.core_type<tc>, window_params = [{transform_indices = @transform_0, window_bounds = array<i64: 1000, 128>}, {transform_indices = @transform_1, window_bounds = array<i64: 1000, 128>}, {pipeline_mode = #tpu.pipeline_mode<synchronous>, transform_indices = @transform_2, window_bounds = array<i64: 256, 256>}, {pipeline_mode = #tpu.pipeline_mode<synchronous>, transform_indices = @transform_3, window_bounds = array<i64: 256, 128>}, {transform_indices = @transform_4, window_bounds = array<i64: 1000, 128>}]} {
    %get3A = arith.constant 0 : index
    %get3A_0 = arith.constant 0 : index
    %get3A_1 = vector.load %arg1[%get3A, %get3A_0] : memref<1000x128xf32, #tpu.memory_space<vmem>>, vector<1000x128xf32>
    %get3A_2 = arith.constant 0 : index
    %get3A_3 = arith.constant 0 : index
    %get3A_4 = vector.load %arg3[%get3A_2, %get3A_3] : memref<256x256xf32, #tpu.memory_space<vmem>>, vector<128x256xf32>
    %dot_general3A = arith.constant dense<0.000000e+00> : vector<1000x256xf32>
    %dot_general3A_5 = tpu.matmul %get3A_1, %get3A_4, %dot_general3A {dimension_numbers = #tpu.dot_dimension_numbers<[1], [0], [0], [1], [0, 0, 1, 1], [], []>, transpose_lhs_hint = false} : vector<1000x128xf32>, vector<128x256xf32>, vector<1000x256xf32> -> vector<1000x256xf32>
    %get3A_6 = arith.constant 0 : index
    %get3A_7 = arith.constant 0 : index
    %get3A_8 = vector.load %arg2[%get3A_6, %get3A_7] : memref<1000x128xf32, #tpu.memory_space<vmem>>, vector<1000x128xf32>
    %get3A_9 = arith.constant 128 : index
    %get3A_10 = arith.constant 0 : index
    %get3A_11 = vector.load %arg3[%get3A_9, %get3A_10] : memref<256x256xf32, #tpu.memory_space<vmem>>, vector<128x256xf32>
    %dot_general3A_12 = arith.constant dense<0.000000e+00> : vector<1000x256xf32>
    %dot_general3A_13 = tpu.matmul %get3A_8, %get3A_11, %dot_general3A_12 {dimension_numbers = #tpu.dot_dimension_numbers<[1], [0], [0], [1], [0, 0, 1, 1], [], []>, transpose_lhs_hint = false} : vector<1000x128xf32>, vector<128x256xf32>, vector<1000x256xf32> -> vector<1000x256xf32>
    %add3A = arith.addf %dot_general3A_5, %dot_general3A_13 : vector<1000x256xf32>
    %gt3A = arith.constant 0.000000e+00 : f32
    %gt3A_14 = vector.broadcast %gt3A : f32 to vector<1000x256xf32>
    %gt3A_15 = arith.cmpf ogt, %add3A, %gt3A_14 : vector<1000x256xf32>
    %min3A = arith.constant 0.000000e+00 : f32
    %min3A_16 = vector.broadcast %min3A : f32 to vector<1000x256xf32>
    %min3A_17 = arith.minimumf %add3A, %min3A_16 : vector<1000x256xf32>
    %exp3A = math.exp %min3A_17 : vector<1000x256xf32>
    %sub3A = arith.constant 1.000000e+00 : f32
    %sub3A_18 = vector.broadcast %sub3A : f32 to vector<1000x256xf32>
    %sub3A_19 = arith.subf %exp3A, %sub3A_18 : vector<1000x256xf32>
    %select_n3A = arith.select %gt3A_15, %add3A, %sub3A_19 : vector<1000x256xi1>, vector<1000x256xf32>
    %get3A_20 = arith.constant 0 : index
    %get3A_21 = arith.constant 0 : index
    %get3A_22 = vector.load %arg4[%get3A_20, %get3A_21] : memref<256x128xf32, #tpu.memory_space<vmem>>, vector<256x128xf32>
    %dot_general3A_23 = arith.constant dense<0.000000e+00> : vector<1000x128xf32>
    %dot_general3A_24 = tpu.matmul %select_n3A, %get3A_22, %dot_general3A_23 {dimension_numbers = #tpu.dot_dimension_numbers<[1], [0], [0], [1], [0, 0, 1, 1], [], []>, transpose_lhs_hint = false} : vector<1000x256xf32>, vector<256x128xf32>, vector<1000x128xf32> -> vector<1000x128xf32>
    %swap3A = arith.constant 0 : index
    %swap3A_25 = arith.constant 0 : index
    %swap3A_26 = vector.load %arg5[%swap3A, %swap3A_25] : memref<1000x128xf32, #tpu.memory_space<vmem>>, vector<1000x128xf32>
    tpu.vector_store %arg5[%swap3A, %swap3A_25], %dot_general3A_24 {strides = array<i32>} : memref<1000x128xf32, #tpu.memory_space<vmem>>, vector<1000x128xf32>,
    return
  }
  func.func @transform_0(%arg0: i32) -> (i32, i32) {
    %c0_i32 = arith.constant 0 : i32
    %c0_i32_0 = arith.constant 0 : i32
    return %arg0, %c0_i32 : i32, i32
  }
  func.func @transform_1(%arg0: i32) -> (i32, i32) {
    %c0_i32 = arith.constant 0 : i32
    %c0_i32_0 = arith.constant 0 : i32
    return %arg0, %c0_i32 : i32, i32
  }
  func.func @transform_2(%arg0: i32) -> (i32, i32) {
    %c0_i32 = arith.constant 0 : i32
    %c0_i32_0 = arith.constant 0 : i32
    %c0_i32_1 = arith.constant 0 : i32
    return %c0_i32, %c0_i32_0 : i32, i32
  }
  func.func @transform_3(%arg0: i32) -> (i32, i32) {
    %c0_i32 = arith.constant 0 : i32
    %c0_i32_0 = arith.constant 0 : i32
    %c0_i32_1 = arith.constant 0 : i32
    return %c0_i32, %c0_i32_0 : i32, i32
  }
  func.func @transform_4(%arg0: i32) -> (i32, i32) {
    %c0_i32 = arith.constant 0 : i32
    %c0_i32_0 = arith.constant 0 : i32
    return %arg0, %c0_i32 : i32, i32
  }
}

module attributes {stable_mosaic.version = 14 : i64} {
  func.func @_norm_body(%arg0: i32, %arg1: memref<1000x128xf32, #tpu.memory_space<vmem>>, %arg2: memref<1000x128xf32, #tpu.memory_space<vmem>>, %arg3: memref<1000x128xf32, #tpu.memory_space<vmem>>) attributes {dimension_semantics = [#tpu.dimension_semantics<arbitrary>], iteration_bounds = array<i64: 10>, scalar_prefetch = 0 : i64, scratch_operands = 0 : i64, tpu.core_type = #tpu.core_type<tc>, window_params = [{transform_indices = @transform_0, window_bounds = array<i64: 1000, 128>}, {transform_indices = @transform_1, window_bounds = array<i64: 1000, 128>}, {transform_indices = @transform_2, window_bounds = array<i64: 1000, 128>}]} {
    %get3A = arith.constant 0 : index
    %get3A_0 = arith.constant 0 : index
    %get3A_1 = vector.load %arg1[%get3A, %get3A_0] : memref<1000x128xf32, #tpu.memory_space<vmem>>, vector<1000x128xf32>
    %get3A_2 = arith.constant 0 : index
    %get3A_3 = arith.constant 0 : index
    %get3A_4 = vector.load %arg2[%get3A_2, %get3A_3] : memref<1000x128xf32, #tpu.memory_space<vmem>>, vector<1000x128xf32>
    %add3A = arith.addf %get3A_1, %get3A_4 : vector<1000x128xf32>
    %mul3A = arith.mulf %add3A, %add3A : vector<1000x128xf32>
    %reduce_sum3A = arith.constant dense<0.000000e+00> : vector<1000xf32>
    %reduce_sum3A_5 = vector.multi_reduction <add>, %mul3A, %reduce_sum3A [1] : vector<1000x128xf32> to vector<1000xf32>
    %broadcast_in_dim3A = vector.shape_cast %reduce_sum3A_5 : vector<1000xf32> to vector<1000x1xf32>
    %sqrt3A = math.sqrt %broadcast_in_dim3A : vector<1000x1xf32>
    %max3A = arith.constant 9.99999996E-13 : f32
    %max3A_6 = vector.broadcast %max3A : f32 to vector<1000x1xf32>
    %max3A_7 = arith.maximumf %sqrt3A, %max3A_6 : vector<1000x1xf32>
    %div3A = arith.constant 1.000000e+00 : f32
    %div3A_8 = vector.broadcast %div3A : f32 to vector<1000x1xf32>
    %div3A_9 = arith.divf %div3A_8, %max3A_7 : vector<1000x1xf32>
    %mul3A_10 = vector.broadcast %div3A_9 : vector<1000x1xf32> to vector<1000x128xf32>
    %mul3A_11 = arith.mulf %add3A, %mul3A_10 : vector<1000x128xf32>
    %swap3A = arith.constant 0 : index
    %swap3A_12 = arith.constant 0 : index
    %swap3A_13 = vector.load %arg3[%swap3A, %swap3A_12] : memref<1000x128xf32, #tpu.memory_space<vmem>>, vector<1000x128xf32>
    tpu.vector_store %arg3[%swap3A, %swap3A_12], %mul3A_11 {strides = array<i32>} : memref<1000x128xf32, #tpu.memory_space<vmem>>, vector<1000x128xf32>,
    return
  }
  func.func @transform_0(%arg0: i32) -> (i32, i32) {
    %c0_i32 = arith.constant 0 : i32
    %c0_i32_0 = arith.constant 0 : i32
    return %arg0, %c0_i32 : i32, i32
  }
  func.func @transform_1(%arg0: i32) -> (i32, i32) {
    %c0_i32 = arith.constant 0 : i32
    %c0_i32_0 = arith.constant 0 : i32
    return %arg0, %c0_i32 : i32, i32
  }
  func.func @transform_2(%arg0: i32) -> (i32, i32) {
    %c0_i32 = arith.constant 0 : i32
    %c0_i32_0 = arith.constant 0 : i32
    return %arg0, %c0_i32 : i32, i32
  }
}

</mosaic_0001>

<sc_bundles>
// kernel: kernel.6.cloned.1.call-start
scs
__scs_entry_jumppad:
0x0: {  	(pc) =	sbr.rel $0x88, $3  }
0x1: {  	(tag) =	ssettag $0x0;
	lr =	simm.s32 $0x1  }
0x2: {  	[smem:$0x3F9D] =	sst lr;
	_ =	strace $0xD0000000  }
0x3: {  	_ = 	snop  }
0x4: {  	_ = 	snop  }
0x5: {  	_ = 	snop  }
0x6: {  	_ = 	snop  }
0x7: {  	_ = 	snop  }
__scs_overlays_trampoline_lowered:
0x8: {  	[smem:$0x3FAC] =	sst s0  }
0x9: {  	[smem:$0x3FAD] =	sst s1  }
0xa: {  	[smem:$0x3FAE] =	sst s2  }
0xb: {  	[smem:$0x3FAF] =	sst s3  }
0xc: {  	[smem:$0x3FB0] =	sst s4  }
0xd: {  	[smem:$0x3FB1] =	sst s5  }
0xe: {  	[smem:$0x3FB2] =	sst s6  }
0xf: {  	[smem:$0x3FB3] =	sst s7  }
0x10: {  	[smem:$0x3FB4] =	sst s8  }
0x11: {  	[smem:$0x3FB5] =	sst s9;
	s0 =	simm.s32 @!p0 $0x0  }
0x12: {  	s1 =	sld [smem:$0x3F9B];
	s0 =	simm.s32 @p0 $0x1  }
0x13: {  	[smem:$0x3FB6] =	sst s0;
	s0 =	simm.s32 @!p1 $0x0  }
0x14: {  	s2 =	sld [smem:$0x3F9A];
	s0 =	simm.s32 @p1 $0x1  }
0x15: {  	[smem:$0x3FB7] =	sst s0;
	s0 =	simm.s32 @!p2 $0x0  }
0x16: {  	s3 =	sld [smem:$0x3FDB];
	s0 =	simm.s32 @p2 $0x1  }
0x17: {  	s4 =	simm.s32 $0x1BF5;
	[smem:$0x3FB9] =	sst s0  }
0x18: {  	s0 =	sld [smem:$0x3F9C];
	_ =	swait.ge [sflag:s4], $0x0  }
0x19: {  	s7 =	sld [smem:$0x3F9D]  }
0x1a: {  	s8 =	sadd.s32 $0xFFFFE003, lr  }
0x1b: {  	s9 =	sadd.s32 $0xFFFFFEF7, lr;
	s5 =	simm.s32 $0xFFFFFFFF;
	p2 =	slt.u32 s8, $0xFFFFF086  }
0x1c: {  	p1 =	slt.u32 s9, $0xF7A;
	s5 =	simm.s32 @!p2 $0x0  }
0x1d: {  	s5 =	simm.s32 @p1 $0x1;
	p0 =	seq.s32 s7, s2  }
0x1e: {  	s7 =	smul.u32 @!p0 $0xF7A, s2;
	p2 =	seq.s32 @!p0 s5, $0x0  }
0x1f: {  	s9 =	smul.u32 $0xF7A, s1;
	s8 =	simm.s32 @!p0 $0x1BF5;
	p2 =	por !p2, p0  }
0x20: {  	[sflag:s8] =	ssyncset.s32 @!p0 $0xFFFFF086;
	s6 =	sadd.s32 @!p0 s3, s7;
	s7 =	simm.s32 @!p0 $0x108  }
0x21: {  	s3 =	sadd.s32 s3, s9;
	s6 =	sadd.s32 @!p0 $0x88, s6;
	s7 =	simm.s32 @p2 $0x1082  }
0x22: {  	[simem:s7], [sflag:s8] =	dma.local @!p0 [hbm:s6], $0xF7A  }
0x23: {  	s9 =	sor.u32 $0xD0000000, s2;
	s6 =	simm.s32 $0x108;
	_ =	swait.ge @!p0 [sflag:s8], $0x0  }
0x24: {  	s3 =	sadd.s32 $0x88, s3;
	s6 =	simm.s32 @!p1 $0x1082;
	[sflag:s4] =	ssyncset.s32 $0xFFFFF086  }
0x25: {  	[simem:s6], [sflag:s4] =	dma.local [hbm:s3], $0xF7A  }
0x26: {  	[smem:$0x3F9D] =	sst s1;
	(tag) =	ssettag s2;
	_ =	strace s9  }
0x27: {  	s1 =	sld [smem:$0x3FAD]  }
0x28: {  	s2 =	sld [smem:$0x3FAE]  }
0x29: {  	s4 =	sld [smem:$0x3FB0]  }
0x2a: {  	p0 =	seq.s32 s5, $0x0;
	s5 =	sld [smem:$0x3FB1]  }
0x2b: {  	s6 =	sld [smem:$0x3FB2]  }
0x2c: {  	s7 =	sld [smem:$0x3FB3]  }
0x2d: {  	s3 =	simm.s32 $0x108;
	s8 =	sld [smem:$0x3FB4]  }
0x2e: {  	s3 =	simm.s32 @!p0 $0x1082;
	s9 =	sld [smem:$0x3FB5]  }
0x2f: {  	lr =	sadd.s32 s0, s3;
	s0 =	sld [smem:$0x3FAC]  }
0x30: {  	s3 =	sld [smem:$0x3FAF]  }
0x31: {  	[smem:$0x3FB8] =	sst s10  }
0x32: {  	s10 =	sld [smem:$0x3FB6];
	_ =	sdelay $0x3  }
0x33: {  	p0 =	seq.s32 s10, $0x1;
	s10 =	sld [smem:$0x3FB8];
	_ =	sdelay $0x3  }
0x34: {  	[smem:$0x3FB8] =	sst s10  }
0x35: {  	s10 =	sld [smem:$0x3FB7];
	_ =	sdelay $0x3  }
0x36: {  	p1 =	seq.s32 s10, $0x1;
	s10 =	sld [smem:$0x3FB8];
	_ =	sdelay $0x3  }
0x37: {  	[smem:$0x3FB8] =	sst s10  }
0x38: {  	s10 =	sld [smem:$0x3FB9]  }
0x39: {  	_ = 	snop;
	(pc) =	sbr.ind lr, $3  }
0x3a: {  	_ = 	snop  }
0x3b: {  	_ = 	snop  }
0x3c: {  	p2 =	seq.s32 s10, $0x1;
	s10 =	sld [smem:$0x3FB8]  }
0x3d: {  	_ =	shalt  }
0x3e: {  	_ =	shalt  }
0x3f: {  	_ =	shalt  }
0x40: {  	_ =	shalt  }
0x41: {  	_ =	shalt  }
0x42: {  	_ =	shalt  }
0x43: {  	_ =	shalt  }
0x44: {  	_ =	shalt  }
0x45: {  	_ =	shalt  }
0x46: {  	_ =	shalt  }
0x47: {  	_ =	shalt  }
0x48: {  	_ =	shalt  }
0x49: {  	_ =	shalt  }
0x4a: {  	_ =	shalt  }
0x4b: {  	_ =	shalt  }
0x4c: {  	_ =	shalt  }
0x4d: {  	_ =	shalt  }
0x4e: {  	_ =	shalt  }
0x4f: {  	_ =	shalt  }
0x50: {  	_ =	shalt  }
0x51: {  	_ =	shalt  }
0x52: {  	_ =	shalt  }
0x53: {  	_ =	shalt  }
0x54: {  	_ =	shalt  }
0x55: {  	_ =	shalt  }
0x56: {  	_ =	shalt  }
0x57: {  	_ =	shalt  }
0x58: {  	_ =	shalt  }
0x59: {  	_ =	shalt  }
0x5a: {  	_ =	shalt  }
0x5b: {  	_ =	shalt  }
0x5c: {  	_ =	shalt  }
0x5d: {  	_ =	shalt  }
0x5e: {  	_ =	shalt  }
0x5f: {  	_ =	shalt  }
0x60: {  	_ =	shalt  }
0x61: {  	_ =	shalt  }
0x62: {  	_ =	shalt  }
0x63: {  	_ =	shalt  }
0x64: {  	_ =	shalt  }
0x65: {  	_ =	shalt  }
0x66: {  	_ =	shalt  }
0x67: {  	_ =	shalt  }
0x68: {  	_ =	shalt  }
0x69: {  	_ =	shalt  }
0x6a: {  	_ =	shalt  }
0x6b: {  	_ =	shalt  }
0x6c: {  	_ =	shalt  }
0x6d: {  	_ =	shalt  }
0x6e: {  	_ =	shalt  }
0x6f: {  	_ =	shalt  }
0x70: {  	_ =	shalt  }
0x71: {  	_ =	shalt  }
0x72: {  	_ =	shalt  }
0x73: {  	_ =	shalt  }
0x74: {  	_ =	shalt  }
0x75: {  	_ =	shalt  }
0x76: {  	_ =	shalt  }
0x77: {  	_ =	shalt  }
0x78: {  	_ =	shalt  }
0x79: {  	_ =	shalt  }
0x7a: {  	_ =	shalt  }
0x7b: {  	_ =	shalt  }
0x7c: {  	_ =	shalt  }
0x7d: {  	_ =	shalt  }
0x7e: {  	_ =	shalt  }
0x7f: {  	_ =	shalt  }
0x80: {  	_ =	shalt  }
0x81: {  	_ =	shalt  }
0x82: {  	_ =	shalt  }
0x83: {  	_ =	shalt  }
0x84: {  	_ =	shalt  }
0x85: {  	_ =	shalt  }
0x86: {  	_ =	shalt  }
0x87: {  	_ =	shalt  }
.Lfunc_end0:
.L_simem_size_0:
called_computation_lowered:
.L_overlay_start_0:
0x88: {  	s2 =	sld [smem:$0x3FD9]  }
0x89: {  	s3 =	sld [smem:$0x3FFE];
	_ =	sdelay $0x1  }
0x8a: {  	s1 =	srdreg.scid  }
0x8b: {  	s0 =	sand.u32 $0x1, s1  }
0x8c: {  	s17 =	sshll.u32 s0, $0xA;
	s2 =	sadd.s32 s3, s2  }
0x8d: {  	s2 =	sadd.s32 s2, s17  }
0x8e: {  	[smem:$0x3FC4] =	sst s2  }
0x8f: {  	_ = 	snop  }
0x90: {  	s2 =	sld [smem:$0x3FD0];
	(tm) =	ssettm $0x1  }
0x91: {  	s18 =	sld [smem:$0x3FFB];
	_ =	sdelay $0x3  }
0x92: {  	_ =	strace s18  }
0x93: {  	s3 =	sld [smem:$0x3FFC];
	_ =	sdelay $0x3  }
0x94: {  	_ =	strace s3  }
0x95: {  	s3 =	sld [smem:$0x3FFD];
	_ =	sdelay $0x3  }
0x96: {  	_ =	strace s3  }
0x97: {  	_ =	strace $0x8FFFFFFF  }
0x98: {  	s19 =	sld [smem:$0x3FDB];
	_ =	sdelay $0x1  }
0x99: {  	s4 =	simm.s32 $_scs_section_size  }
0x9a: {  	s5 =	simm.s32 $_size__tile_overlayer_lowered;
	s6 =	simm.s32 $_tile_overlayer_lowered  }
0x9b: {  	s22 =	simm.s32 $0x1BFF;
	s21 =	sshll.u32 s6, $0x1;
	s3 =	sadd.s32 s4, s19  }
0x9c: {  	s7 =	simm.s32 $0x0;
	s20 =	sshll.u32 s5, $0x1;
	s5 =	sadd.s32 s21, s3  }
0x9d: {  	[timem:s7], [sflag:s22] =	dma.local [hbm:s5], s20  }
0x9e: {  	_ =	swait.ge [sflag:s22], s20  }
0x9f: {  	s4 =	ssub.s32 $0x0, s20;
	[sflag:s22] =	ssyncset.done $0x0  }
0xa0: {  	[sflag:s22] =	ssyncadd.s32 s4;
	_ =	sdelay $0x1  }
0xa1: {  	s23 =	simm.s32 $0x1B8B  }
0xa2: {  	_ =	swait.ge [sflag:s23], $0x1  }
0xa3: {  	[sflag:s23] =	ssyncset.done $0x0  }
0xa4: {  	s25 =	simm.s32 $0x1B8E;
	s24 =	sld [smem:$0x3FFE];
	[sflag:s23] =	ssyncadd.s32 $0xFFFFFFFF  }
0xa5: {  	s26 =	simm.s32 $execute0_lowered;
	[smem:$0x3FD2] =	sst s25  }
0xa6: {  	s5 =	sshll.u32 s26, $0x1;
	_ =	strace $0x80000046;
	[dreg:$0x1] =	wrdreg $0xFFFFFFFF  }
0xa7: {  	s28 =	simm.s32 $_size_execute0_lowered;
	s3 =	sadd.s32 s3, s5;
	[dreg:$0x0] =	wrdreg $0x0  }
0xa8: {  	s5 =	sshll.u32 s28, $0x1;
	[dreg:$0x2] =	wrdreg s3  }
0xa9: {  	[dreg:$0x3] =	wrdreg s5  }
0xaa: {  	[dreg:$0x4] =	wrdreg $0xC0  }
0xab: {  	_ =	task [dreg:s7], $0x5FFFF  }
0xac: {  	[dreg:$0x1] =	wrdreg $0xFFFFFFFF  }
0xad: {  	[dreg:$0x0] =	wrdreg $0x60  }
0xae: {  	[dreg:$0x2] =	wrdreg s24  }
0xaf: {  	[dreg:$0x3] =	wrdreg s2  }
0xb0: {  	[dreg:$0x4] =	wrdreg $0xB7000  }
0xb1: {  	[dreg:$0x5] =	wrdreg $0x9  }
0xb2: {  	_ =	task.clear_ibuf [dreg:s7], $0x6FFFF;
	_ =	strace $0x90000046  }
0xb3: {  	s29 =	simm.s32 $0x9;
	_ =	strace $0x80000048  }
0xb4: {  	_ =	swait.ge [sflag:s29], $0x1  }
0xb5: {  	[sflag:s29] =	ssyncadd.s32 $0xFFFFFFFF  }
0xb6: {  	_ =	strace $0x90000048  }
0xb7: {  	_ =	sfence  }
0xb8: {  	s30 =	sld [smem:$0x0];
	_ =	sdelay $0x2  }
0xb9: {  	s31 =	sshll.u32 s1, $0xD;
	s1 =	sshrl.u32 s1, $0x2  }
0xba: {  	s3 =	sand.u32 $0x4000, s31;
	s1 =	sadd.s32 s1, s30  }
0xbb: {  	s0 =	sor.u32 s3, s0;
	s1 =	sshll.u32 s1, $0x11  }
0xbc: {  	s0 =	sor.u32 s1, s0  }
0xbd: {  	s0 =	sadd.s32 $0x8F2B, s0  }
0xbe: {  	[sflag:s0] =	ssyncadd.remote.s32 $0x1  }
0xbf: {  	_ =	sfence.sel $0xFFFF  }
0xc0: {  	[dreg:$0x0] =	wrdreg $0xFFFFFFFF;
	(pc) =	sbr.abs _section_cstart, $3  }
0xc1: {  	[dreg:$0x1] =	wrdreg $0xFFFFFFFF  }
0xc2: {  	_ =	task.clear_ibuf [dreg:s7], $0x2FFFF;
	_ =	strace $0x9FFFFFFF  }
0xc3: {  	(tm) =	ssettm $0x7FFFFFFF  }
tec
execute0_lowered:
.L_overlay_start_1:
0x0: {  	(tag) =	ssettag $0x1  }
0x1: {  	s0 =	rddreg [dreg:$0x0]  }
0x2: {  	s2 =	rddreg [dreg:$0x1]  }
0x3: {  	s3 =	rddreg [dreg:$0x2];
	s4 =	simm.s32 $0x0;
	s1 =	stileid.u32  }
0x4: {  	s5 =	srdreg.scid;
	s17 =	simm.s32 $0x4;
	s19 =	simm.s32 $0x10  }
0x5: {  	s21 =	simm.s32 $0xAF00;
	s22 =	simm.s32 $0x60;
	s23 =	simm.s32 $0x4F00  }
0x6: {  	s25 =	simm.s32 $0x7F00;
	s26 =	simm.s32 $0x1;
	s28 =	simm.s32 $0x2  }
0x7: {  	s31 =	simm.s32 $0x4E20;
	s18 =	simm.s32 $0x4E80;
	s6 =	smul.u32 $0x4E2, s1  }
0x8: {  	[smem:$0x7FF] =	sst s4;
	s11 =	sand.u32 $0x1, s5;
	s7 =	smul.u32 $0x2780, s1  }
0x9: {  	s5 =	sadd.s32 $0xB800, s0;
	s10 =	smul.u32 $0x4F000, s1;
	s30 =	sadd.s32 $0xA5E80, s0  }
0xa: {  	_ =	strace $0x80000047;
	s8 =	ssub.s32 $0x2, s11;
	p0 =	seq.s32 s11, $0x0  }
0xb: {  	[dreg:$0x5] =	wrdreg s30;
	p1 =	sne.s32 s11, $0x0;
	s11 =	simm.s32 $0x0  }
0xc: {  	s9 =	sshrl.u32 s8, $0x1;
	s12 =	sadd.s32 s6, s0;
	s13 =	sadd.s32 s7, s0  }
0xd: {  	s29 =	sshrl.u32 s10, $0x2;
	s10 =	sadd.s32 $0x57A80, s0;
	s0 =	sadd.s32 $0x7EC80, s0  }
0xe: {  	s14 =	ssub.s32 s8, s9;
	s6 =	sadd.s32 $0x6800, s12;
	s7 =	sadd.s32 $0x1800, s12  }
.Ltmp0:
0xf: {  	s8 =	sadd.s32 s29, s3;
	s9 =	sadd.s32 $0x32A00, s13;
	(pc) =	sbr.rel .LBB2_1-.Ltmp0, $4  }
0x10: {  	s12 =	sadd.s32 $0x128400, s3;
	s15 =	sadd.s32 $0x80E00, s13;
	[dreg:$0x7] =	wrdreg s0  }
0x11: {  	s13 =	sadd.s32 $0x59C00, s13;
	[dreg:$0x4] =	wrdreg s15;
	s15 =	smov.u32 s2  }
0x12: {  	s0 =	simm.s32 $0x3;
	s15 =	smov.u32 @p0 s5;
	p0 =	seq.s32 s1, $0xF  }
0x13: {  	[dreg:$0x6] =	wrdreg s13;
	s16 =	smax.u32 s14, $0x1;
	s24 =	sshrl.u32 @p0 s12, $0x3  }
.LBB2_7:
0x14: {  	s1 =	sadd.s32 $0x60, s13;
	[sflag:s17] =	ssyncadd.s32 $0xFFFFD000  }
0x15: {  	[tilespmem:s25], [sflag:$0x2] =	stream.indirect.gather [hbm4b:s2+s22], $0x80, s1, s22, $0xb8;
	[tilespmem:$0x1EF80] =	vst v63  }
0x16: {  	_ =	swait.ge [sflag:s26], $0x3000  }
0x17: {  	[sflag:s26] =	ssyncset.done $0x0  }
0x18: {  	s29 =	sadd.s32 $0x2780, s13;
	[sflag:s26] =	ssyncadd.s32 $0xFFFFD000  }
0x19: {  	[spmem:s3] =	stream.indirect.scatter.add.f32 [tilespmem:s23], [sflag:$0x4], $0x80, s29, s22, $0xb8;
	[tilespmem:$0x1EF80] =	vst v63  }
0x1a: {  	_ =	swait.ge [sflag:s17], $0x3000  }
0x1b: {  	[sflag:s17] =	ssyncset.done $0x0  }
0x1c: {  	s30 =	sadd.s32 $0xC0, s13;
	[sflag:s17] =	ssyncadd.s32 $0xFFFFD000  }
0x1d: {  	[tilespmem:s23], [sflag:$0x1] =	stream.indirect.gather [hbm4b:s2+s22], $0x80, s30, s22, $0xb8;
	[tilespmem:$0x1EF80] =	vst v63  }
0x1e: {  	_ =	swait.ge [sflag:s28], $0x3000  }
0x1f: {  	[sflag:s28] =	ssyncset.done $0x0  }
0x20: {  	s14 =	sadd.s32 $0x27E0, s13;
	[sflag:s28] =	ssyncadd.s32 $0xFFFFD000  }
0x21: {  	[spmem:s3] =	stream.indirect.scatter.add.f32 [tilespmem:s25], [sflag:$0x4], $0x80, s14, s22, $0xb8;
	[tilespmem:$0x1EF80] =	vst v63  }
0x22: {  	_ =	swait.ge [sflag:s17], $0x3000  }
0x23: {  	[sflag:s17] =	ssyncset.done $0x0  }
0x24: {  	s29 =	simm.s32 $0x26A0;
	[sflag:s17] =	ssyncadd.s32 $0xFFFFD000  }
0x25: {  	[tilespmem:s25], [sflag:$0x2] =	stream.indirect.gather [hbm4b:s2+s22], $0x80, s29, s22, $0xb8;
	[tilespmem:$0x1EF80] =	vst v63  }
0x26: {  	_ =	swait.ge [sflag:s26], $0x3000  }
0x27: {  	[sflag:s26] =	ssyncset.done $0x0  }
0x28: {  	s30 =	simm.s32 $0x4DC0;
	[sflag:s26] =	ssyncadd.s32 $0xFFFFD000  }
0x29: {  	[spmem:s3] =	stream.indirect.scatter.add.f32 [tilespmem:s23], [sflag:$0x4], $0x80, s30, s22, $0xb8;
	[tilespmem:$0x1EF80] =	vst v63  }
0x2a: {  	_ =	swait.ge [sflag:s17], $0x3000  }
0x2b: {  	[sflag:s17] =	ssyncset.done $0x0  }
0x2c: {  	[sflag:s17] =	ssyncadd.s32 $0xFFFFD000  }
0x2d: {  	_ =	swait.ge [sflag:s28], $0x3000  }
0x2e: {  	[sflag:s28] =	ssyncset.done $0x0  }
0x2f: {  	[sflag:s28] =	ssyncadd.s32 $0xFFFFD000  }
0x30: {  	[spmem:s3] =	stream.indirect.scatter.add.f32 [tilespmem:s25], [sflag:$0x4], $0x80, s31, s22, $0xb8;
	[tilespmem:$0x1EF80] =	vst v63  }
0x31: {  	_ =	swait.ge [sflag:s17], $0x3000  }
0x32: {  	[sflag:s17] =	ssyncset.done $0x0  }
0x33: {  	[sflag:s17] =	ssyncadd.s32 $0xFFFFD000  }
0x34: {  	_ =	swait.ge [sflag:s0], $0x800  }
0x35: {  	[sflag:s0] =	ssyncset.done $0x0  }
0x36: {  	[sflag:s0] =	ssyncadd.s32 $0xFFFFF800  }
0x37: {  	[spmem:s3] =	stream.indirect.scatter.add.f32 [tilespmem:s21], [sflag:$0x4], $0x80, s18, s19, $0xb8;
	[tilespmem:$0x1EF80] =	vst v63  }
0x38: {  	_ =	swait.ge [sflag:s17], $0x800  }
0x39: {  	[sflag:s17] =	ssyncset.done $0x0  }
0x3a: {  	[sflag:s17] =	ssyncadd.s32 $0xFFFFF800  }
0x3b: {  	[bflag:$0x0] =	sbarrier.arrive $0xFFFF  }
0x3c: {  	s1 =	simm.s32 @p0 $0x1FC4;
	s13 =	rddreg [dreg:$0x5]  }
0x3d: {  	[hbm:s13], [sflag:s1] =	dma.local @p0 [spmem:s24], $0x2080  }
0x3e: {  	s1 =	simm.s32 @p0 $0x4  }
0x3f: {  	_ =	swait.ge @p0 [sflag:s1], $0x2080  }
0x40: {  	[sflag:s1] =	ssyncset.done @p0 $0x0  }
0x41: {  	[sflag:s1] =	ssyncadd.s32 @p0 $0xFFFFDF80;
	s1 =	rddreg [dreg:$0x4]  }
0x42: {  	[hbm:s1], [sflag:s12] =	dma.local @!p0 [spmem:s20], $0x2780  }
0x43: {  	s1 =	simm.s32 @!p0 $0x4  }
0x44: {  	_ =	swait.ge @!p0 [sflag:s1], $0x2780  }
0x45: {  	[sflag:s1] =	ssyncset.done @!p0 $0x0  }
0x46: {  	[sflag:s1] =	ssyncadd.s32 @!p0 $0xFFFFD880  }
.LBB2_8:
0x47: {  	s11 =	sadd.s32 $0x1, s11  }
0x48: {  	p2 =	sne.s32 s11, s16  }
.Ltmp1:
0x49: {  	_ = 	snop;
	(pc) =	sbr.rel @!p2 .LBB2_9-.Ltmp1, $1  }
0x4a: {  	_ =	sdelay $0x3  }
.LBB2_1:
0x4b: {  	[tilespmem:s4], [sflag:$0x4] =	stream.linear.gather [hbm4b:s6+s4], $0x2710, $0x38;
	[tilespmem:$0x1EF80] =	vst v63  }
0x4c: {  	_ =	swait.ge [sflag:s17], $0x2710  }
0x4d: {  	[sflag:s17] =	ssyncset.done $0x0  }
0x4e: {  	s1 =	simm.s32 $0x2780;
	[sflag:s17] =	ssyncadd.s32 $0xFFFFD8F0  }
0x4f: {  	[tilespmem:s1], [sflag:$0x4] =	stream.linear.gather [hbm4b:s7+s4], $0x2710, $0x38;
	[tilespmem:$0x1EF80] =	vst v63  }
0x50: {  	_ =	swait.ge [sflag:s17], $0x2710  }
0x51: {  	[sflag:s17] =	ssyncset.done $0x0  }
0x52: {  	s30 =	simm.s32 $0x2700;
	[sflag:s17] =	ssyncadd.s32 $0xFFFFD8F0  }
0x53: {  	[tilespmem:s21], [sflag:$0x3] =	stream.indirect.gather [hbm4b:s15+s19], $0x80, s30, s19, $0xb8;
	[tilespmem:$0x1EF80] =	vst v63  }
0x54: {  	s12 =	simm.s32 @p0 $0x1FC4  }
0x55: {  	[tilespmem:s23], [sflag:$0x1] =	stream.indirect.gather [hbm4b:s15+s22], $0x80, s4, s22, $0xb8;
	[tilespmem:$0x1EF80] =	vst v63  }
0x56: {  	[spmem:s24], [sflag:s12] =	dma.local @p0 [hbm:s10], $0x2080  }
0x57: {  	s12 =	simm.s32 @p0 $0x4  }
0x58: {  	s1 =	stileid.u32;
	_ =	swait.ge @p0 [sflag:s12], $0x2080  }
0x59: {  	s20 =	sshrl.u32 @!p0 s8, $0x3;
	s13 =	sshll.u32 @!p0 s1, $0x6;
	[sflag:s12] =	ssyncset.done @p0 $0x0  }
0x5a: {  	[sflag:s12] =	ssyncadd.s32 @p0 $0xFFFFDF80;
	s12 =	sor.u32 @!p0 $0x1C04, s13;
	s13 =	simm.s32 @!p0 $0x4  }
0x5b: {  	[spmem:s20], [sflag:s12] =	dma.local @!p0 [hbm:s9], $0x2780  }
.Ltmp2:
0x5c: {  	_ =	swait.ge @!p0 [sflag:s13], $0x2780;
	(pc) =	sbr.rel @p1 .LBB2_5-.Ltmp2, $3  }
0x5d: {  	[sflag:s13] =	ssyncset.done @!p0 $0x0  }
0x5e: {  	[sflag:s13] =	ssyncadd.s32 @!p0 $0xFFFFD880  }
0x5f: {  	[bflag:$0x0] =	sbarrier.arrive $0xFFFF;
	_ =	sdelay $0x1  }
0x60: {  	s13 =	simm.s32 $0x60  }
0x61: {  	[tilespmem:s25], [sflag:$0x2] =	stream.indirect.gather [hbm4b:s5+s22], $0x80, s13, s22, $0xb8;
	[tilespmem:$0x1EF80] =	vst v63  }
0x62: {  	_ =	swait.ge [sflag:s26], $0x3000  }
0x63: {  	[sflag:s26] =	ssyncset.done $0x0  }
0x64: {  	s14 =	simm.s32 $0x2780;
	[sflag:s26] =	ssyncadd.s32 $0xFFFFD000  }
0x65: {  	[spmem:s3] =	stream.indirect.scatter.add.f32 [tilespmem:s23], [sflag:$0x4], $0x80, s14, s22, $0xb8;
	[tilespmem:$0x1EF80] =	vst v63  }
0x66: {  	_ =	swait.ge [sflag:s17], $0x3000  }
0x67: {  	[sflag:s17] =	ssyncset.done $0x0  }
0x68: {  	s29 =	simm.s32 $0xC0;
	[sflag:s17] =	ssyncadd.s32 $0xFFFFD000  }
0x69: {  	[tilespmem:s23], [sflag:$0x1] =	stream.indirect.gather [hbm4b:s5+s22], $0x80, s29, s22, $0xb8;
	[tilespmem:$0x1EF80] =	vst v63  }
0x6a: {  	_ =	swait.ge [sflag:s28], $0x3000  }
0x6b: {  	[sflag:s28] =	ssyncset.done $0x0  }
0x6c: {  	s30 =	simm.s32 $0x27E0;
	[sflag:s28] =	ssyncadd.s32 $0xFFFFD000  }
0x6d: {  	[spmem:s3] =	stream.indirect.scatter.add.f32 [tilespmem:s25], [sflag:$0x4], $0x80, s30, s22, $0xb8;
	[tilespmem:$0x1EF80] =	vst v63  }
0x6e: {  	_ =	swait.ge [sflag:s17], $0x3000  }
0x6f: {  	s13 =	simm.s32 $0xC0;
	s14 =	simm.s32 $0x600;
	[sflag:s17] =	ssyncset.done $0x0  }
.LBB2_3:
0x70: {  	s29 =	sadd.s32 $0x60, s13  }
0x71: {  	[sflag:s17] =	ssyncadd.s32 $0xFFFFD000;
	s1 =	smov.u32 s14;
	s30 =	sadd.s32 $0x300, s14  }
0x72: {  	[tilespmem:s25], [sflag:$0x2] =	stream.indirect.gather [hbm4b:s5+s22], $0x80, s29, s22, $0xb8;
	[tilespmem:$0x1EF80] =	vst v63  }
0x73: {  	p2 =	sne.s32 s14, $0x9600;
	_ =	swait.ge [sflag:s26], $0x3000  }
0x74: {  	[sflag:s26] =	ssyncset.done $0x0  }
0x75: {  	s14 =	sadd.s32 $0x2780, s13;
	[sflag:s26] =	ssyncadd.s32 $0xFFFFD000  }
0x76: {  	[spmem:s3] =	stream.indirect.scatter.add.f32 [tilespmem:s23], [sflag:$0x4], $0x80, s14, s22, $0xb8;
	[tilespmem:$0x1EF80] =	vst v63  }
0x77: {  	_ =	swait.ge [sflag:s17], $0x3000  }
0x78: {  	[sflag:s17] =	ssyncset.done $0x0  }
0x79: {  	s14 =	sadd.s32 $0xC0, s13;
	[sflag:s17] =	ssyncadd.s32 $0xFFFFD000  }
0x7a: {  	[tilespmem:s23], [sflag:$0x1] =	stream.indirect.gather [hbm4b:s5+s22], $0x80, s14, s22, $0xb8;
	[tilespmem:$0x1EF80] =	vst v63  }
0x7b: {  	_ =	swait.ge [sflag:s28], $0x3000  }
.Ltmp3:
0x7c: {  	[sflag:s28] =	ssyncset.done $0x0;
	(pc) =	sbr.rel @p2 .LBB2_3-.Ltmp3, $4  }
0x7d: {  	s13 =	sadd.s32 $0x27E0, s13;
	[sflag:s28] =	ssyncadd.s32 $0xFFFFD000  }
0x7e: {  	[spmem:s3] =	stream.indirect.scatter.add.f32 [tilespmem:s25], [sflag:$0x4], $0x80, s13, s22, $0xb8;
	[tilespmem:$0x1EF80] =	vst v63  }
0x7f: {  	_ =	swait.ge [sflag:s17], $0x3000  }
0x80: {  	s14 =	smov.u32 s30;
	s13 =	sshra.s32 s1, $0x2;
	[sflag:s17] =	ssyncset.done $0x0  }
0x81: {  	s1 =	sadd.s32 $0x60, s13;
	[sflag:s17] =	ssyncadd.s32 $0xFFFFD000  }
0x82: {  	[tilespmem:s25], [sflag:$0x2] =	stream.indirect.gather [hbm4b:s5+s22], $0x80, s1, s22, $0xb8;
	[tilespmem:$0x1EF80] =	vst v63  }
0x83: {  	_ =	swait.ge [sflag:s26], $0x3000  }
0x84: {  	[sflag:s26] =	ssyncset.done $0x0  }
0x85: {  	s29 =	sadd.s32 $0x2780, s13;
	[sflag:s26] =	ssyncadd.s32 $0xFFFFD000  }
0x86: {  	[spmem:s3] =	stream.indirect.scatter.add.f32 [tilespmem:s23], [sflag:$0x4], $0x80, s29, s22, $0xb8;
	[tilespmem:$0x1EF80] =	vst v63  }
0x87: {  	_ =	swait.ge [sflag:s17], $0x3000  }
0x88: {  	[sflag:s17] =	ssyncset.done $0x0  }
0x89: {  	s30 =	sadd.s32 $0xC0, s13;
	[sflag:s17] =	ssyncadd.s32 $0xFFFFD000  }
0x8a: {  	[tilespmem:s23], [sflag:$0x1] =	stream.indirect.gather [hbm4b:s5+s22], $0x80, s30, s22, $0xb8;
	[tilespmem:$0x1EF80] =	vst v63  }
0x8b: {  	_ =	swait.ge [sflag:s28], $0x3000  }
0x8c: {  	[sflag:s28] =	ssyncset.done $0x0  }
0x8d: {  	s14 =	sadd.s32 $0x27E0, s13;
	[sflag:s28] =	ssyncadd.s32 $0xFFFFD000  }
0x8e: {  	[spmem:s3] =	stream.indirect.scatter.add.f32 [tilespmem:s25], [sflag:$0x4], $0x80, s14, s22, $0xb8;
	[tilespmem:$0x1EF80] =	vst v63  }
0x8f: {  	_ =	swait.ge [sflag:s17], $0x3000  }
0x90: {  	[sflag:s17] =	ssyncset.done $0x0  }
0x91: {  	s29 =	simm.s32 $0x26A0;
	[sflag:s17] =	ssyncadd.s32 $0xFFFFD000  }
0x92: {  	[tilespmem:s25], [sflag:$0x2] =	stream.indirect.gather [hbm4b:s5+s22], $0x80, s29, s22, $0xb8;
	[tilespmem:$0x1EF80] =	vst v63  }
0x93: {  	_ =	swait.ge [sflag:s26], $0x3000  }
0x94: {  	[sflag:s26] =	ssyncset.done $0x0  }
0x95: {  	s30 =	simm.s32 $0x4DC0;
	[sflag:s26] =	ssyncadd.s32 $0xFFFFD000  }
0x96: {  	[spmem:s3] =	stream.indirect.scatter.add.f32 [tilespmem:s23], [sflag:$0x4], $0x80, s30, s22, $0xb8;
	[tilespmem:$0x1EF80] =	vst v63  }
0x97: {  	_ =	swait.ge [sflag:s17], $0x3000  }
0x98: {  	[sflag:s17] =	ssyncset.done $0x0  }
0x99: {  	[sflag:s17] =	ssyncadd.s32 $0xFFFFD000  }
0x9a: {  	_ =	swait.ge [sflag:s28], $0x3000  }
0x9b: {  	[sflag:s28] =	ssyncset.done $0x0  }
0x9c: {  	[sflag:s28] =	ssyncadd.s32 $0xFFFFD000  }
0x9d: {  	[spmem:s3] =	stream.indirect.scatter.add.f32 [tilespmem:s25], [sflag:$0x4], $0x80, s31, s22, $0xb8;
	[tilespmem:$0x1EF80] =	vst v63  }
0x9e: {  	_ =	swait.ge [sflag:s17], $0x3000  }
0x9f: {  	[sflag:s17] =	ssyncset.done $0x0  }
0xa0: {  	[sflag:s17] =	ssyncadd.s32 $0xFFFFD000  }
0xa1: {  	_ =	swait.ge [sflag:s0], $0x800  }
0xa2: {  	[sflag:s0] =	ssyncset.done $0x0  }
0xa3: {  	[sflag:s0] =	ssyncadd.s32 $0xFFFFF800  }
0xa4: {  	[spmem:s3] =	stream.indirect.scatter.add.f32 [tilespmem:s21], [sflag:$0x4], $0x80, s18, s19, $0xb8;
	[tilespmem:$0x1EF80] =	vst v63  }
0xa5: {  	_ =	swait.ge [sflag:s17], $0x800  }
0xa6: {  	[sflag:s17] =	ssyncset.done $0x0  }
0xa7: {  	[sflag:s17] =	ssyncadd.s32 $0xFFFFF800  }
0xa8: {  	[bflag:$0x0] =	sbarrier.arrive $0xFFFF  }
0xa9: {  	s1 =	simm.s32 @p0 $0x1FC4;
	s13 =	rddreg [dreg:$0x7]  }
0xaa: {  	[hbm:s13], [sflag:s1] =	dma.local @p0 [spmem:s24], $0x2080  }
0xab: {  	s1 =	simm.s32 @p0 $0x4  }
0xac: {  	_ =	swait.ge @p0 [sflag:s1], $0x2080  }
0xad: {  	[sflag:s1] =	ssyncset.done @p0 $0x0  }
0xae: {  	[sflag:s1] =	ssyncadd.s32 @p0 $0xFFFFDF80;
	s1 =	rddreg [dreg:$0x6]  }
0xaf: {  	[hbm:s1], [sflag:s12] =	dma.local @!p0 [spmem:s20], $0x2780  }
.Ltmp4:
0xb0: {  	_ = 	snop;
	(pc) =	sbr.rel .LBB2_8-.Ltmp4, $4  }
0xb1: {  	s1 =	simm.s32 @!p0 $0x4  }
0xb2: {  	_ =	swait.ge @!p0 [sflag:s1], $0x2780  }
0xb3: {  	[sflag:s1] =	ssyncset.done @!p0 $0x0  }
0xb4: {  	[sflag:s1] =	ssyncadd.s32 @!p0 $0xFFFFD880  }
.LBB2_5:
0xb5: {  	s1 =	simm.s32 $0x60  }
0xb6: {  	[tilespmem:s25], [sflag:$0x2] =	stream.indirect.gather [hbm4b:s2+s22], $0x80, s1, s22, $0xb8;
	[tilespmem:$0x1EF80] =	vst v63  }
0xb7: {  	_ =	swait.ge [sflag:s26], $0x3000  }
0xb8: {  	[sflag:s26] =	ssyncset.done $0x0  }
0xb9: {  	s14 =	simm.s32 $0x2780;
	[sflag:s26] =	ssyncadd.s32 $0xFFFFD000  }
0xba: {  	[spmem:s3] =	stream.indirect.scatter.add.f32 [tilespmem:s23], [sflag:$0x4], $0x80, s14, s22, $0xb8;
	[tilespmem:$0x1EF80] =	vst v63  }
0xbb: {  	_ =	swait.ge [sflag:s17], $0x3000  }
0xbc: {  	[sflag:s17] =	ssyncset.done $0x0  }
0xbd: {  	s29 =	simm.s32 $0xC0;
	[sflag:s17] =	ssyncadd.s32 $0xFFFFD000  }
0xbe: {  	[tilespmem:s23], [sflag:$0x1] =	stream.indirect.gather [hbm4b:s2+s22], $0x80, s29, s22, $0xb8;
	[tilespmem:$0x1EF80] =	vst v63  }
0xbf: {  	_ =	swait.ge [sflag:s28], $0x3000  }
0xc0: {  	[sflag:s28] =	ssyncset.done $0x0  }
0xc1: {  	s30 =	simm.s32 $0x27E0;
	[sflag:s28] =	ssyncadd.s32 $0xFFFFD000  }
0xc2: {  	[spmem:s3] =	stream.indirect.scatter.add.f32 [tilespmem:s25], [sflag:$0x4], $0x80, s30, s22, $0xb8;
	[tilespmem:$0x1EF80] =	vst v63  }
0xc3: {  	_ =	swait.ge [sflag:s17], $0x3000  }
0xc4: {  	s13 =	simm.s32 $0xC0;
	s14 =	simm.s32 $0x600;
	[sflag:s17] =	ssyncset.done $0x0  }
.LBB2_6:
0xc5: {  	s1 =	sadd.s32 $0x60, s13  }
0xc6: {  	[sflag:s17] =	ssyncadd.s32 $0xFFFFD000;
	s29 =	smov.u32 s14;
	s30 =	sadd.s32 $0x300, s14  }
0xc7: {  	[tilespmem:s25], [sflag:$0x2] =	stream.indirect.gather [hbm4b:s2+s22], $0x80, s1, s22, $0xb8;
	[tilespmem:$0x1EF80] =	vst v63  }
0xc8: {  	p2 =	sne.s32 s14, $0x9600;
	_ =	swait.ge [sflag:s26], $0x3000  }
0xc9: {  	[sflag:s26] =	ssyncset.done $0x0  }
0xca: {  	s1 =	sadd.s32 $0x2780, s13;
	[sflag:s26] =	ssyncadd.s32 $0xFFFFD000  }
0xcb: {  	[spmem:s3] =	stream.indirect.scatter.add.f32 [tilespmem:s23], [sflag:$0x4], $0x80, s1, s22, $0xb8;
	[tilespmem:$0x1EF80] =	vst v63  }
0xcc: {  	_ =	swait.ge [sflag:s17], $0x3000  }
0xcd: {  	[sflag:s17] =	ssyncset.done $0x0  }
0xce: {  	s1 =	sadd.s32 $0xC0, s13;
	[sflag:s17] =	ssyncadd.s32 $0xFFFFD000  }
0xcf: {  	[tilespmem:s23], [sflag:$0x1] =	stream.indirect.gather [hbm4b:s2+s22], $0x80, s1, s22, $0xb8;
	[tilespmem:$0x1EF80] =	vst v63  }
0xd0: {  	_ =	swait.ge [sflag:s28], $0x3000  }
.Ltmp5:
0xd1: {  	[sflag:s28] =	ssyncset.done $0x0;
	(pc) =	sbr.rel @p2 .LBB2_6-.Ltmp5, $4  }
0xd2: {  	s1 =	sadd.s32 $0x27E0, s13;
	[sflag:s28] =	ssyncadd.s32 $0xFFFFD000  }
0xd3: {  	[spmem:s3] =	stream.indirect.scatter.add.f32 [tilespmem:s25], [sflag:$0x4], $0x80, s1, s22, $0xb8;
	[tilespmem:$0x1EF80] =	vst v63  }
0xd4: {  	_ =	swait.ge [sflag:s17], $0x3000  }
0xd5: {  	s14 =	smov.u32 s30;
	s13 =	sshra.s32 s29, $0x2;
	[sflag:s17] =	ssyncset.done $0x0  }
.Ltmp6:
0xd6: {  	_ = 	snop;
	(pc) =	sbr.rel .LBB2_7-.Ltmp6, $1  }
0xd7: {  	_ =	sdelay $0x3  }
.LBB2_9:
0xd8: {  	_ =	sfence.sel $0x180000  }
0xd9: {  	[bflag:$0x0] =	sbarrier.arrive $0xFFFF  }
0xda: {  	_ =	strace $0x90000047  }
0xdb: {  	s0 =	stileid.u32;
	[bflag:$0x2] =	sbarrier.arrive $0xFFFF  }
0xdc: {  	p0 =	sne.s32 s0, $0x0;
	s0 =	rddreg [dreg:$0x3]  }
0xdd: {  	s0 =	sadd.s32 @!p0 $0x100000, s0  }
0xde: {  	[sflag:s0] =	ssyncadd.tile.s32 @!p0 $0x1;
	_ =	shalt  }
.Lfunc_end2:
_tile_overlayer_lowered:
.L_overlay_start_2:
0xdf: {  	(tag) =	ssettag $0x2  }
0xe0: {  	s0 =	rddreg [dreg:$0x0];
	s2 =	stileid.u32  }
0xe1: {  	s1 =	rddreg [dreg:$0x1];
	p0 =	sne.s32 s2, $0x0  }
0xe2: {  	s3 =	rddreg [dreg:$0x2];
	[bflag:$0x3] =	sbarrier.arrive $0xFFFF;
	s2 =	simm.s32 @!p0 $0x1C04  }
0xe3: {  	[timem:s3], [sflag:s2] =	dma.local @!p0 [hbm:s0], s1  }
0xe4: {  	s0 =	simm.s32 @!p0 $0x4  }
0xe5: {  	_ =	swait.ge @!p0 [sflag:s0], s1  }
0xe6: {  	s1 =	ssub.s32 @!p0 $0x0, s1;
	[sflag:s0] =	ssyncset.done @!p0 $0x0  }
0xe7: {  	[sflag:s0] =	ssyncadd.s32 @!p0 s1  }
0xe8: {  	[bflag:$0x3] =	sbarrier.arrive $0xFFFF  }
0xe9: {  	_ =	shalt  }

// kernel: kernel.9.cloned.1.call-start
scs
__scs_entry_jumppad:
0x0: {  	(pc) =	sbr.rel $0x88, $3  }
0x1: {  	(tag) =	ssettag $0x0;
	lr =	simm.s32 $0x1  }
0x2: {  	[smem:$0x3F9D] =	sst lr;
	_ =	strace $0xD0000000  }
0x3: {  	_ = 	snop  }
0x4: {  	_ = 	snop  }
0x5: {  	_ = 	snop  }
0x6: {  	_ = 	snop  }
0x7: {  	_ = 	snop  }
__scs_overlays_trampoline_lowered:
0x8: {  	[smem:$0x3FAC] =	sst s0  }
0x9: {  	[smem:$0x3FAD] =	sst s1  }
0xa: {  	[smem:$0x3FAE] =	sst s2  }
0xb: {  	[smem:$0x3FAF] =	sst s3  }
0xc: {  	[smem:$0x3FB0] =	sst s4  }
0xd: {  	[smem:$0x3FB1] =	sst s5  }
0xe: {  	[smem:$0x3FB2] =	sst s6  }
0xf: {  	[smem:$0x3FB3] =	sst s7  }
0x10: {  	[smem:$0x3FB4] =	sst s8  }
0x11: {  	[smem:$0x3FB5] =	sst s9;
	s0 =	simm.s32 @!p0 $0x0  }
0x12: {  	s1 =	sld [smem:$0x3F9B];
	s0 =	simm.s32 @p0 $0x1  }
0x13: {  	[smem:$0x3FB6] =	sst s0;
	s0 =	simm.s32 @!p1 $0x0  }
0x14: {  	s2 =	sld [smem:$0x3F9A];
	s0 =	simm.s32 @p1 $0x1  }
0x15: {  	[smem:$0x3FB7] =	sst s0;
	s0 =	simm.s32 @!p2 $0x0  }
0x16: {  	s3 =	sld [smem:$0x3FDB];
	s0 =	simm.s32 @p2 $0x1  }
0x17: {  	s4 =	simm.s32 $0x1BF5;
	[smem:$0x3FB9] =	sst s0  }
0x18: {  	s0 =	sld [smem:$0x3F9C];
	_ =	swait.ge [sflag:s4], $0x0  }
0x19: {  	s7 =	sld [smem:$0x3F9D]  }
0x1a: {  	s8 =	sadd.s32 $0xFFFFE003, lr  }
0x1b: {  	s9 =	sadd.s32 $0xFFFFFEF7, lr;
	s5 =	simm.s32 $0xFFFFFFFF;
	p2 =	slt.u32 s8, $0xFFFFF086  }
0x1c: {  	p1 =	slt.u32 s9, $0xF7A;
	s5 =	simm.s32 @!p2 $0x0  }
0x1d: {  	s5 =	simm.s32 @p1 $0x1;
	p0 =	seq.s32 s7, s2  }
0x1e: {  	s7 =	smul.u32 @!p0 $0xF7A, s2;
	p2 =	seq.s32 @!p0 s5, $0x0  }
0x1f: {  	s9 =	smul.u32 $0xF7A, s1;
	s8 =	simm.s32 @!p0 $0x1BF5;
	p2 =	por !p2, p0  }
0x20: {  	[sflag:s8] =	ssyncset.s32 @!p0 $0xFFFFF086;
	s6 =	sadd.s32 @!p0 s3, s7;
	s7 =	simm.s32 @!p0 $0x108  }
0x21: {  	s3 =	sadd.s32 s3, s9;
	s6 =	sadd.s32 @!p0 $0x88, s6;
	s7 =	simm.s32 @p2 $0x1082  }
0x22: {  	[simem:s7], [sflag:s8] =	dma.local @!p0 [hbm:s6], $0xF7A  }
0x23: {  	s9 =	sor.u32 $0xD0000000, s2;
	s6 =	simm.s32 $0x108;
	_ =	swait.ge @!p0 [sflag:s8], $0x0  }
0x24: {  	s3 =	sadd.s32 $0x88, s3;
	s6 =	simm.s32 @!p1 $0x1082;
	[sflag:s4] =	ssyncset.s32 $0xFFFFF086  }
0x25: {  	[simem:s6], [sflag:s4] =	dma.local [hbm:s3], $0xF7A  }
0x26: {  	[smem:$0x3F9D] =	sst s1;
	(tag) =	ssettag s2;
	_ =	strace s9  }
0x27: {  	s1 =	sld [smem:$0x3FAD]  }
0x28: {  	s2 =	sld [smem:$0x3FAE]  }
0x29: {  	s4 =	sld [smem:$0x3FB0]  }
0x2a: {  	p0 =	seq.s32 s5, $0x0;
	s5 =	sld [smem:$0x3FB1]  }
0x2b: {  	s6 =	sld [smem:$0x3FB2]  }
0x2c: {  	s7 =	sld [smem:$0x3FB3]  }
0x2d: {  	s3 =	simm.s32 $0x108;
	s8 =	sld [smem:$0x3FB4]  }
0x2e: {  	s3 =	simm.s32 @!p0 $0x1082;
	s9 =	sld [smem:$0x3FB5]  }
0x2f: {  	lr =	sadd.s32 s0, s3;
	s0 =	sld [smem:$0x3FAC]  }
0x30: {  	s3 =	sld [smem:$0x3FAF]  }
0x31: {  	[smem:$0x3FB8] =	sst s10  }
0x32: {  	s10 =	sld [smem:$0x3FB6];
	_ =	sdelay $0x3  }
0x33: {  	p0 =	seq.s32 s10, $0x1;
	s10 =	sld [smem:$0x3FB8];
	_ =	sdelay $0x3  }
0x34: {  	[smem:$0x3FB8] =	sst s10  }
0x35: {  	s10 =	sld [smem:$0x3FB7];
	_ =	sdelay $0x3  }
0x36: {  	p1 =	seq.s32 s10, $0x1;
	s10 =	sld [smem:$0x3FB8];
	_ =	sdelay $0x3  }
0x37: {  	[smem:$0x3FB8] =	sst s10  }
0x38: {  	s10 =	sld [smem:$0x3FB9]  }
0x39: {  	_ = 	snop;
	(pc) =	sbr.ind lr, $3  }
0x3a: {  	_ = 	snop  }
0x3b: {  	_ = 	snop  }
0x3c: {  	p2 =	seq.s32 s10, $0x1;
	s10 =	sld [smem:$0x3FB8]  }
0x3d: {  	_ =	shalt  }
0x3e: {  	_ =	shalt  }
0x3f: {  	_ =	shalt  }
0x40: {  	_ =	shalt  }
0x41: {  	_ =	shalt  }
0x42: {  	_ =	shalt  }
0x43: {  	_ =	shalt  }
0x44: {  	_ =	shalt  }
0x45: {  	_ =	shalt  }
0x46: {  	_ =	shalt  }
0x47: {  	_ =	shalt  }
0x48: {  	_ =	shalt  }
0x49: {  	_ =	shalt  }
0x4a: {  	_ =	shalt  }
0x4b: {  	_ =	shalt  }
0x4c: {  	_ =	shalt  }
0x4d: {  	_ =	shalt  }
0x4e: {  	_ =	shalt  }
0x4f: {  	_ =	shalt  }
0x50: {  	_ =	shalt  }
0x51: {  	_ =	shalt  }
0x52: {  	_ =	shalt  }
0x53: {  	_ =	shalt  }
0x54: {  	_ =	shalt  }
0x55: {  	_ =	shalt  }
0x56: {  	_ =	shalt  }
0x57: {  	_ =	shalt  }
0x58: {  	_ =	shalt  }
0x59: {  	_ =	shalt  }
0x5a: {  	_ =	shalt  }
0x5b: {  	_ =	shalt  }
0x5c: {  	_ =	shalt  }
0x5d: {  	_ =	shalt  }
0x5e: {  	_ =	shalt  }
0x5f: {  	_ =	shalt  }
0x60: {  	_ =	shalt  }
0x61: {  	_ =	shalt  }
0x62: {  	_ =	shalt  }
0x63: {  	_ =	shalt  }
0x64: {  	_ =	shalt  }
0x65: {  	_ =	shalt  }
0x66: {  	_ =	shalt  }
0x67: {  	_ =	shalt  }
0x68: {  	_ =	shalt  }
0x69: {  	_ =	shalt  }
0x6a: {  	_ =	shalt  }
0x6b: {  	_ =	shalt  }
0x6c: {  	_ =	shalt  }
0x6d: {  	_ =	shalt  }
0x6e: {  	_ =	shalt  }
0x6f: {  	_ =	shalt  }
0x70: {  	_ =	shalt  }
0x71: {  	_ =	shalt  }
0x72: {  	_ =	shalt  }
0x73: {  	_ =	shalt  }
0x74: {  	_ =	shalt  }
0x75: {  	_ =	shalt  }
0x76: {  	_ =	shalt  }
0x77: {  	_ =	shalt  }
0x78: {  	_ =	shalt  }
0x79: {  	_ =	shalt  }
0x7a: {  	_ =	shalt  }
0x7b: {  	_ =	shalt  }
0x7c: {  	_ =	shalt  }
0x7d: {  	_ =	shalt  }
0x7e: {  	_ =	shalt  }
0x7f: {  	_ =	shalt  }
0x80: {  	_ =	shalt  }
0x81: {  	_ =	shalt  }
0x82: {  	_ =	shalt  }
0x83: {  	_ =	shalt  }
0x84: {  	_ =	shalt  }
0x85: {  	_ =	shalt  }
0x86: {  	_ =	shalt  }
0x87: {  	_ =	shalt  }
.Lfunc_end0:
.L_simem_size_0:
called_computation.1_lowered:
.L_overlay_start_0:
0x88: {  	s2 =	sld [smem:$0x3FD9]  }
0x89: {  	s3 =	sld [smem:$0x3FFE];
	_ =	sdelay $0x1  }
0x8a: {  	s1 =	srdreg.scid  }
0x8b: {  	s0 =	sand.u32 $0x1, s1  }
0x8c: {  	s17 =	sshll.u32 s0, $0xA;
	s2 =	sadd.s32 s3, s2  }
0x8d: {  	s2 =	sadd.s32 s2, s17  }
0x8e: {  	[smem:$0x3FC4] =	sst s2  }
0x8f: {  	_ = 	snop  }
0x90: {  	s2 =	sld [smem:$0x3FD0];
	(tm) =	ssettm $0x1  }
0x91: {  	s18 =	sld [smem:$0x3FFB];
	_ =	sdelay $0x3  }
0x92: {  	_ =	strace s18  }
0x93: {  	s3 =	sld [smem:$0x3FFC];
	_ =	sdelay $0x3  }
0x94: {  	_ =	strace s3  }
0x95: {  	s3 =	sld [smem:$0x3FFD];
	_ =	sdelay $0x3  }
0x96: {  	_ =	strace s3  }
0x97: {  	_ =	strace $0x8FFFFFFF  }
0x98: {  	s19 =	sld [smem:$0x3FDB];
	_ =	sdelay $0x1  }
0x99: {  	s4 =	simm.s32 $_scs_section_size  }
0x9a: {  	s5 =	simm.s32 $_size__tile_overlayer_lowered;
	s6 =	simm.s32 $_tile_overlayer_lowered  }
0x9b: {  	s22 =	simm.s32 $0x1BFF;
	s21 =	sshll.u32 s6, $0x1;
	s3 =	sadd.s32 s4, s19  }
0x9c: {  	s7 =	simm.s32 $0x0;
	s20 =	sshll.u32 s5, $0x1;
	s5 =	sadd.s32 s21, s3  }
0x9d: {  	[timem:s7], [sflag:s22] =	dma.local [hbm:s5], s20  }
0x9e: {  	_ =	swait.ge [sflag:s22], s20  }
0x9f: {  	s4 =	ssub.s32 $0x0, s20;
	[sflag:s22] =	ssyncset.done $0x0  }
0xa0: {  	[sflag:s22] =	ssyncadd.s32 s4;
	_ =	sdelay $0x1  }
0xa1: {  	s23 =	simm.s32 $0x1B8B  }
0xa2: {  	_ =	swait.ge [sflag:s23], $0x1  }
0xa3: {  	[sflag:s23] =	ssyncset.done $0x0  }
0xa4: {  	s25 =	simm.s32 $0x1B8E;
	s24 =	sld [smem:$0x3FFE];
	[sflag:s23] =	ssyncadd.s32 $0xFFFFFFFF  }
0xa5: {  	s26 =	simm.s32 $execute0_lowered;
	[smem:$0x3FD2] =	sst s25  }
0xa6: {  	s5 =	sshll.u32 s26, $0x1;
	_ =	strace $0x80000049;
	[dreg:$0x1] =	wrdreg $0xFFFFFFFF  }
0xa7: {  	s28 =	simm.s32 $_size_execute0_lowered;
	s3 =	sadd.s32 s3, s5;
	[dreg:$0x0] =	wrdreg $0x0  }
0xa8: {  	s5 =	sshll.u32 s28, $0x1;
	[dreg:$0x2] =	wrdreg s3  }
0xa9: {  	[dreg:$0x3] =	wrdreg s5  }
0xaa: {  	[dreg:$0x4] =	wrdreg $0xC0  }
0xab: {  	_ =	task [dreg:s7], $0x5FFFF  }
0xac: {  	[dreg:$0x1] =	wrdreg $0xFFFFFFFF  }
0xad: {  	[dreg:$0x0] =	wrdreg $0x60  }
0xae: {  	[dreg:$0x2] =	wrdreg s2  }
0xaf: {  	[dreg:$0x3] =	wrdreg s24  }
0xb0: {  	[dreg:$0x4] =	wrdreg $0xAC000  }
0xb1: {  	[dreg:$0x5] =	wrdreg $0x9  }
0xb2: {  	_ =	task.clear_ibuf [dreg:s7], $0x6FFFF;
	_ =	strace $0x90000049  }
0xb3: {  	s29 =	simm.s32 $0x9;
	_ =	strace $0x8000004B  }
0xb4: {  	_ =	swait.ge [sflag:s29], $0x1  }
0xb5: {  	[sflag:s29] =	ssyncadd.s32 $0xFFFFFFFF  }
0xb6: {  	_ =	strace $0x9000004B  }
0xb7: {  	_ =	sfence  }
0xb8: {  	s30 =	sld [smem:$0x0];
	_ =	sdelay $0x2  }
0xb9: {  	s31 =	sshll.u32 s1, $0xD;
	s1 =	sshrl.u32 s1, $0x2  }
0xba: {  	s3 =	sand.u32 $0x4000, s31;
	s1 =	sadd.s32 s1, s30  }
0xbb: {  	s0 =	sor.u32 s3, s0;
	s1 =	sshll.u32 s1, $0x11  }
0xbc: {  	s0 =	sor.u32 s1, s0  }
0xbd: {  	s0 =	sadd.s32 $0x8F2B, s0  }
0xbe: {  	[sflag:s0] =	ssyncadd.remote.s32 $0x1  }
0xbf: {  	_ =	sfence.sel $0xFFFF  }
0xc0: {  	[dreg:$0x0] =	wrdreg $0xFFFFFFFF;
	(pc) =	sbr.abs _section_cstart, $3  }
0xc1: {  	[dreg:$0x1] =	wrdreg $0xFFFFFFFF  }
0xc2: {  	_ =	task.clear_ibuf [dreg:s7], $0x2FFFF;
	_ =	strace $0x9FFFFFFF  }
0xc3: {  	(tm) =	ssettm $0x7FFFFFFF  }
tec
execute0_lowered:
.L_overlay_start_1:
0x0: {  	(tag) =	ssettag $0x1  }
0x1: {  	s1 =	rddreg [dreg:$0x0]  }
0x2: {  	s0 =	srdreg.scid;
	s2 =	rddreg [dreg:$0x1]  }
0x3: {  	s3 =	rddreg [dreg:$0x2];
	s4 =	simm.s32 $0x0;
	s16 =	simm.s32 $0x4  }
0x4: {  	s18 =	simm.s32 $0x8;
	s20 =	simm.s32 $0xA800;
	s21 =	simm.s32 $0x80  }
0x5: {  	s22 =	simm.s32 $0x2800;
	s28 =	simm.s32 $0x2;
	s11 =	sand.u32 $0x1, s0  }
0x6: {  	s30 =	simm.s32 $0x3;
	s0 =	stileid.u32;
	s5 =	smul.u32 $0x13880, s11  }
0x7: {  	[smem:$0x7FF] =	sst s4;
	s10 =	sadd.s32 $0x57A80, s2;
	s6 =	smul.u32 $0x1388, s0  }
0x8: {  	s12 =	sadd.s32 $0x30880, s2;
	s14 =	sadd.s32 $0x7EC80, s2;
	s25 =	smul.u32 $0x2780, s0  }
0x9: {  	s7 =	ssub.s32 $0x2, s11;
	s8 =	smul.u32 $0x4F000, s0;
	_ =	strace $0x8000004A  }
0xa: {  	p4 =	seq.s32 s11, $0x1;
	p0 =	seq.s32 s0, $0xF;
	s26 =	sshrl.u32 s7, $0x1  }
0xb: {  	p2 =	seq.s32 @p4 s0, $0xF;
	p5 =	seq.s32 @!p4 s0, $0xF;
	s5 =	sadd.s32 s6, s5  }
0xc: {  	s13 =	sadd.s32 s25, s2;
	s15 =	ssub.s32 s7, s26;
	s29 =	sshrl.u32 s8, $0x2  }
0xd: {  	s25 =	simm.s32 $0x6800;
	p1 =	por !p2, !p4;
	p2 =	por p2, !p4  }
0xe: {  	p3 =	por !p5, p4;
	p4 =	por p5, p4;
	s26 =	simm.s32 $0x1  }
0xf: {  	s5 =	sshrl.u32 s5, $0x3;
	s7 =	sadd.s32 s29, s3;
	s8 =	sadd.s32 $0x32A00, s13  }
0x10: {  	s11 =	sadd.s32 $0xB800, s13;
	s13 =	sadd.s32 $0x59C00, s13;
	s9 =	sadd.s32 s5, s2  }
0x11: {  	s15 =	smax.u32 s15, $0x1;
	s2 =	sshll.u32 @!p0 s0, $0x6;
	s31 =	sadd.s32 $0x6800, s9  }
0x12: {  	s6 =	sadd.s32 $0x1800, s9;
	s9 =	sadd.s32 $0x128400, s3;
	s24 =	sor.u32 @!p0 $0x1C04, s2  }
0x13: {  	s2 =	simm.s32 $0x0;
	[dreg:$0x4] =	wrdreg s31;
	s23 =	sshrl.u32 @p0 s9, $0x3  }
.LBB2_1:
0x14: {  	s5 =	rddreg [dreg:$0x4]  }
0x15: {  	[tilespmem:s4], [sflag:$0x4] =	stream.linear.gather [hbm4b:s5+s4], $0x1388, $0x38;
	[tilespmem:$0x1E480] =	vst v63  }
0x16: {  	_ =	swait.ge [sflag:s16], $0x1388  }
0x17: {  	[sflag:s16] =	ssyncset.done $0x0  }
0x18: {  	s29 =	simm.s32 $0x1400;
	[sflag:s16] =	ssyncadd.s32 $0xFFFFEC78  }
0x19: {  	[tilespmem:s29], [sflag:$0x4] =	stream.linear.gather [hbm4b:s6+s4], $0x1388, $0x38;
	[tilespmem:$0x1E480] =	vst v63  }
0x1a: {  	_ =	swait.ge [sflag:s16], $0x1388  }
0x1b: {  	[sflag:s16] =	ssyncset.done $0x0  }
0x1c: {  	s31 =	simm.s32 $0x1380;
	[sflag:s16] =	ssyncadd.s32 $0xFFFFEC78  }
0x1d: {  	[tilespmem:s20], [sflag:$0x3] =	stream.indirect.gather [hbm4b:s1+s18], $0x80, s31, s18, $0xb8;
	[tilespmem:$0x1E480] =	vst v63  }
0x1e: {  	s17 =	simm.s32 @p0 $0x1FC4  }
0x1f: {  	[tilespmem:s22], [sflag:$0x1] =	stream.indirect.gather [hbm4b:s1+s21], $0x80, s4, s21, $0xb8;
	[tilespmem:$0x1E480] =	vst v63  }
0x20: {  	[spmem:s23], [sflag:s17] =	dma.local @p0 [hbm:s10], $0x2080  }
0x21: {  	s17 =	simm.s32 @p0 $0x4  }
0x22: {  	_ =	swait.ge @p0 [sflag:s17], $0x2080  }
0x23: {  	[sflag:s17] =	ssyncset.done @p0 $0x0  }
0x24: {  	[sflag:s17] =	ssyncadd.s32 @p0 $0xFFFFDF80;
	s17 =	sshrl.u32 @!p0 s7, $0x3  }
0x25: {  	[spmem:s17], [sflag:s24] =	dma.local @!p0 [hbm:s8], $0x2780  }
0x26: {  	s17 =	simm.s32 @!p0 $0x4  }
0x27: {  	_ =	swait.ge @!p0 [sflag:s17], $0x2780  }
0x28: {  	[sflag:s17] =	ssyncset.done @!p0 $0x0  }
0x29: {  	[sflag:s17] =	ssyncadd.s32 @!p0 $0xFFFFD880  }
0x2a: {  	s5 =	simm.s32 $0x80;
	[bflag:$0x0] =	sbarrier.arrive $0xFFFF  }
0x2b: {  	[tilespmem:s25], [sflag:$0x2] =	stream.indirect.gather [hbm4b:s1+s21], $0x80, s5, s21, $0xb8;
	[tilespmem:$0x1E480] =	vst v63  }
0x2c: {  	_ =	swait.ge [sflag:s26], $0x4000  }
0x2d: {  	[sflag:s26] =	ssyncset.done $0x0  }
0x2e: {  	s19 =	simm.s32 $0x1400;
	[sflag:s26] =	ssyncadd.s32 $0xFFFFC000  }
0x2f: {  	[spmem:s3] =	stream.indirect.scatter.add.f32 [tilespmem:s22], [sflag:$0x4], $0x80, s19, s21, $0xb8;
	[tilespmem:$0x1E480] =	vst v63  }
0x30: {  	_ =	swait.ge [sflag:s16], $0x4000  }
0x31: {  	[sflag:s16] =	ssyncset.done $0x0  }
0x32: {  	s29 =	simm.s32 $0x100;
	[sflag:s16] =	ssyncadd.s32 $0xFFFFC000  }
0x33: {  	[tilespmem:s22], [sflag:$0x1] =	stream.indirect.gather [hbm4b:s1+s21], $0x80, s29, s21, $0xb8;
	[tilespmem:$0x1E480] =	vst v63  }
0x34: {  	_ =	swait.ge [sflag:s28], $0x4000  }
0x35: {  	[sflag:s28] =	ssyncset.done $0x0  }
0x36: {  	s31 =	simm.s32 $0x1480;
	[sflag:s28] =	ssyncadd.s32 $0xFFFFC000  }
0x37: {  	[spmem:s3] =	stream.indirect.scatter.add.f32 [tilespmem:s25], [sflag:$0x4], $0x80, s31, s21, $0xb8;
	[tilespmem:$0x1E480] =	vst v63  }
0x38: {  	_ =	swait.ge [sflag:s16], $0x4000  }
0x39: {  	s17 =	simm.s32 $0x100;
	s19 =	simm.s32 $0x800;
	[sflag:s16] =	ssyncset.done $0x0  }
.LBB2_2:
0x3a: {  	s29 =	sadd.s32 $0x80, s17  }
0x3b: {  	[sflag:s16] =	ssyncadd.s32 $0xFFFFC000;
	s31 =	smov.u32 s19;
	s5 =	sadd.s32 $0x400, s19  }
0x3c: {  	[tilespmem:s25], [sflag:$0x2] =	stream.indirect.gather [hbm4b:s1+s21], $0x80, s29, s21, $0xb8;
	[tilespmem:$0x1E480] =	vst v63  }
0x3d: {  	p5 =	sne.s32 s19, $0x4800;
	_ =	swait.ge [sflag:s26], $0x4000  }
0x3e: {  	[sflag:s26] =	ssyncset.done $0x0  }
0x3f: {  	s19 =	sadd.s32 $0x1400, s17;
	[sflag:s26] =	ssyncadd.s32 $0xFFFFC000  }
0x40: {  	[spmem:s3] =	stream.indirect.scatter.add.f32 [tilespmem:s22], [sflag:$0x4], $0x80, s19, s21, $0xb8;
	[tilespmem:$0x1E480] =	vst v63  }
0x41: {  	_ =	swait.ge [sflag:s16], $0x4000  }
0x42: {  	[sflag:s16] =	ssyncset.done $0x0  }
0x43: {  	s19 =	sadd.s32 $0x100, s17;
	[sflag:s16] =	ssyncadd.s32 $0xFFFFC000  }
0x44: {  	[tilespmem:s22], [sflag:$0x1] =	stream.indirect.gather [hbm4b:s1+s21], $0x80, s19, s21, $0xb8;
	[tilespmem:$0x1E480] =	vst v63  }
0x45: {  	_ =	swait.ge [sflag:s28], $0x4000  }
.Ltmp0:
0x46: {  	[sflag:s28] =	ssyncset.done $0x0;
	(pc) =	sbr.rel @p5 .LBB2_2-.Ltmp0, $4  }
0x47: {  	s17 =	sadd.s32 $0x1480, s17;
	[sflag:s28] =	ssyncadd.s32 $0xFFFFC000  }
0x48: {  	[spmem:s3] =	stream.indirect.scatter.add.f32 [tilespmem:s25], [sflag:$0x4], $0x80, s17, s21, $0xb8;
	[tilespmem:$0x1E480] =	vst v63  }
0x49: {  	_ =	swait.ge [sflag:s16], $0x4000  }
0x4a: {  	s19 =	smov.u32 s5;
	s17 =	sshra.s32 s31, $0x2;
	[sflag:s16] =	ssyncset.done $0x0  }
0x4b: {  	s5 =	sadd.s32 $0x80, s17;
	[sflag:s16] =	ssyncadd.s32 $0xFFFFC000  }
0x4c: {  	[tilespmem:s25], [sflag:$0x2] =	stream.indirect.gather [hbm4b:s1+s21], $0x80, s5, s21, $0xb8;
	[tilespmem:$0x1E480] =	vst v63  }
0x4d: {  	_ =	swait.ge [sflag:s26], $0x4000  }
0x4e: {  	[sflag:s26] =	ssyncset.done $0x0  }
0x4f: {  	s29 =	sadd.s32 $0x1400, s17;
	[sflag:s26] =	ssyncadd.s32 $0xFFFFC000  }
0x50: {  	[spmem:s3] =	stream.indirect.scatter.add.f32 [tilespmem:s22], [sflag:$0x4], $0x80, s29, s21, $0xb8;
	[tilespmem:$0x1E480] =	vst v63  }
0x51: {  	_ =	swait.ge [sflag:s16], $0x4000  }
0x52: {  	[sflag:s16] =	ssyncset.done $0x0  }
0x53: {  	s31 =	sadd.s32 $0x100, s17;
	[sflag:s16] =	ssyncadd.s32 $0xFFFFC000  }
0x54: {  	[tilespmem:s22], [sflag:$0x1] =	stream.indirect.gather [hbm4b:s1+s21], $0x80, s31, s21, $0xb8;
	[tilespmem:$0x1E480] =	vst v63  }
0x55: {  	_ =	swait.ge [sflag:s28], $0x4000  }
0x56: {  	[sflag:s28] =	ssyncset.done $0x0  }
0x57: {  	s19 =	sadd.s32 $0x1480, s17;
	[sflag:s28] =	ssyncadd.s32 $0xFFFFC000  }
0x58: {  	[spmem:s3] =	stream.indirect.scatter.add.f32 [tilespmem:s25], [sflag:$0x4], $0x80, s19, s21, $0xb8;
	[tilespmem:$0x1E480] =	vst v63  }
0x59: {  	_ =	swait.ge [sflag:s16], $0x4000  }
0x5a: {  	[sflag:s16] =	ssyncset.done $0x0  }
0x5b: {  	[sflag:s16] =	ssyncadd.s32 $0xFFFFC000  }
0x5c: {  	_ =	swait.ge [sflag:s26], $0x4000  }
0x5d: {  	[sflag:s26] =	ssyncset.done $0x0  }
0x5e: {  	s29 =	simm.s32 $0x2700;
	[sflag:s26] =	ssyncadd.s32 $0xFFFFC000  }
0x5f: {  	[spmem:s3] =	stream.indirect.scatter.add.f32 [tilespmem:s22], [sflag:$0x4], $0x80, s29, s21, $0xb8;
	[tilespmem:$0x1E480] =	vst v63  }
0x60: {  	_ =	swait.ge [sflag:s16], $0x4000  }
0x61: {  	[sflag:s16] =	ssyncset.done $0x0  }
0x62: {  	[sflag:s16] =	ssyncadd.s32 $0xFFFFC000  }
0x63: {  	_ =	swait.ge [sflag:s30], $0x400  }
0x64: {  	[sflag:s30] =	ssyncset.done $0x0  }
0x65: {  	s31 =	simm.s32 $0x2780;
	[sflag:s30] =	ssyncadd.s32 $0xFFFFFC00  }
0x66: {  	[spmem:s3] =	stream.indirect.scatter.add.f32 [tilespmem:s20], [sflag:$0x4], $0x80, s31, s18, $0xb8;
	[tilespmem:$0x1E480] =	vst v63  }
0x67: {  	_ =	swait.ge [sflag:s16], $0x400  }
0x68: {  	[sflag:s16] =	ssyncset.done $0x0  }
0x69: {  	[sflag:s16] =	ssyncadd.s32 $0xFFFFFC00  }
0x6a: {  	s17 =	simm.s32 @!p1 $0x1FC4;
	s5 =	sshrl.u32 @!p1 s9, $0x3;
	[bflag:$0x0] =	sbarrier.arrive $0xFFFF  }
0x6b: {  	[hbm:s14], [sflag:s17] =	dma.local @!p1 [spmem:s5], $0x2080  }
0x6c: {  	s5 =	simm.s32 @!p1 $0x4  }
0x6d: {  	_ =	swait.ge @!p1 [sflag:s5], $0x2080  }
0x6e: {  	s17 =	sshll.u32 @!p2 s0, $0x6;
	[sflag:s5] =	ssyncset.done @!p1 $0x0  }
0x6f: {  	[sflag:s5] =	ssyncadd.s32 @!p1 $0xFFFFDF80;
	s5 =	sor.u32 @!p2 $0x1C04, s17;
	s17 =	sshrl.u32 @!p2 s7, $0x3  }
0x70: {  	[hbm:s13], [sflag:s5] =	dma.local @!p2 [spmem:s17], $0x2780  }
0x71: {  	s5 =	simm.s32 @!p2 $0x4  }
0x72: {  	_ =	swait.ge @!p2 [sflag:s5], $0x2780  }
0x73: {  	[sflag:s5] =	ssyncset.done @!p2 $0x0  }
0x74: {  	s17 =	simm.s32 @!p3 $0x1FC4;
	[sflag:s5] =	ssyncadd.s32 @!p2 $0xFFFFD880;
	s5 =	sshrl.u32 @!p3 s9, $0x3  }
0x75: {  	[hbm:s12], [sflag:s17] =	dma.local @!p3 [spmem:s5], $0x2080  }
0x76: {  	s5 =	simm.s32 @!p3 $0x4  }
0x77: {  	s2 =	sadd.s32 $0x1, s2;
	_ =	swait.ge @!p3 [sflag:s5], $0x2080  }
0x78: {  	p5 =	sne.s32 s2, s15;
	s17 =	sshll.u32 @!p4 s0, $0x6;
	[sflag:s5] =	ssyncset.done @!p3 $0x0  }
0x79: {  	[sflag:s5] =	ssyncadd.s32 @!p3 $0xFFFFDF80;
	s5 =	sor.u32 @!p4 $0x1C04, s17;
	s17 =	sshrl.u32 @!p4 s7, $0x3  }
0x7a: {  	[hbm:s11], [sflag:s5] =	dma.local @!p4 [spmem:s17], $0x2780  }
.Ltmp1:
0x7b: {  	_ = 	snop;
	(pc) =	sbr.rel @p5 .LBB2_1-.Ltmp1, $4  }
0x7c: {  	s5 =	simm.s32 @!p4 $0x4  }
0x7d: {  	_ =	swait.ge @!p4 [sflag:s5], $0x2780  }
0x7e: {  	[sflag:s5] =	ssyncset.done @!p4 $0x0  }
0x7f: {  	[sflag:s5] =	ssyncadd.s32 @!p4 $0xFFFFD880  }
0x80: {  	_ =	sfence.sel $0x180000  }
0x81: {  	[bflag:$0x0] =	sbarrier.arrive $0xFFFF  }
0x82: {  	_ =	strace $0x9000004A  }
0x83: {  	[bflag:$0x2] =	sbarrier.arrive $0xFFFF  }
0x84: {  	p0 =	sne.s32 s0, $0x0;
	s0 =	rddreg [dreg:$0x3]  }
0x85: {  	s0 =	sadd.s32 @!p0 $0x100000, s0  }
0x86: {  	[sflag:s0] =	ssyncadd.tile.s32 @!p0 $0x1;
	_ =	shalt  }
.Lfunc_end2:
_tile_overlayer_lowered:
.L_overlay_start_2:
0x87: {  	(tag) =	ssettag $0x2  }
0x88: {  	s0 =	rddreg [dreg:$0x0];
	s2 =	stileid.u32  }
0x89: {  	s1 =	rddreg [dreg:$0x1];
	p0 =	sne.s32 s2, $0x0  }
0x8a: {  	s3 =	rddreg [dreg:$0x2];
	[bflag:$0x3] =	sbarrier.arrive $0xFFFF;
	s2 =	simm.s32 @!p0 $0x1C04  }
0x8b: {  	[timem:s3], [sflag:s2] =	dma.local @!p0 [hbm:s0], s1  }
0x8c: {  	s0 =	simm.s32 @!p0 $0x4  }
0x8d: {  	_ =	swait.ge @!p0 [sflag:s0], s1  }
0x8e: {  	s1 =	ssub.s32 @!p0 $0x0, s1;
	[sflag:s0] =	ssyncset.done @!p0 $0x0  }
0x8f: {  	[sflag:s0] =	ssyncadd.s32 @!p0 s1  }
0x90: {  	[bflag:$0x3] =	sbarrier.arrive $0xFFFF  }
0x91: {  	_ =	shalt  }

</sc_bundles>
